<compile_context>
chip_gen: v7x
topology: tpu7x:2x2x1
jax: 0.10.2.dev20260603
libtpu: 0.0.44.dev20260713+nightly
codegen_flags: <defaults>
</compile_context>

<pallas_src>
import functools

import jax
import jax.numpy as jnp
from jax import lax
from jax.experimental import pallas as pl
from jax.experimental.pallas import tpu as pltpu
from jax.experimental.pallas import tpu_sc as plsc

CHUNK = 512
GSUB = 128
NBUF = 2


def _make_gather(B: int, D: int):
    info = plsc.get_sparse_core_info()
    NW = info.num_cores * info.num_subcores
    assert B % (NW * CHUNK * NBUF) == 0
    per_w = B // NW
    n_chunks = per_w // CHUNK
    mesh = plsc.VectorSubcoreMesh(core_axis_name="c", subcore_axis_name="s")

    @functools.partial(
        pl.kernel,
        out_type=jax.ShapeDtypeStruct((B, 2 * D), jnp.float32),
        mesh=mesh,
        scratch_types=[
            pltpu.VMEM((NBUF, CHUNK), jnp.int32),
            pltpu.VMEM((NBUF, CHUNK, D), jnp.float32),
            [pltpu.SemaphoreType.DMA] * NBUF,
            [pltpu.SemaphoreType.DMA] * NBUF,
            [pltpu.SemaphoreType.DMA] * NBUF,
        ],
        compiler_params=pltpu.CompilerParams(use_tc_tiling_on_sc=False),
    )
    def gather_kernel(idx_hbm, table_hbm, out_hbm, idx_v, rows_v, isem, gsem, osem):
        wid = lax.axis_index("s") * info.num_cores + lax.axis_index("c")
        base = wid * per_w

        def start_idx(c, b):
            pltpu.async_copy(
                idx_hbm.at[pl.ds(base + c * CHUNK, CHUNK)], idx_v.at[b], isem[b]
            )

        def wait_idx(b):
            pltpu.make_async_copy(
                idx_hbm.at[pl.ds(0, CHUNK)], idx_v.at[b], isem[b]
            ).wait()

        def fire_gathers(b):
            for j in range(CHUNK // GSUB):
                pltpu.async_copy(
                    table_hbm.at[idx_v.at[b, pl.ds(j * GSUB, GSUB)]],
                    rows_v.at[b, pl.ds(j * GSUB, GSUB)],
                    gsem[b],
                )

        def drain_gathers(b):
            for j in range(CHUNK // GSUB):
                pltpu.make_async_copy(
                    table_hbm.at[idx_v.at[b, pl.ds(0, GSUB)]],
                    rows_v.at[b, pl.ds(0, GSUB)],
                    gsem[b],
                ).wait()

        def wait_store(b):
            pltpu.make_async_copy(
                rows_v.at[b], out_hbm.at[pl.ds(0, CHUNK), pl.ds(0, D)], osem[b]
            ).wait()

        for b in range(NBUF):
            start_idx(b, b)
        wait_idx(0)
        fire_gathers(0)

        def body(g, carry):
            for b in range(NBUF):
                c = g * NBUF + b
                nb = (b + 1) % NBUF

                @pl.when(c < n_chunks - 1)
                def _():
                    wait_idx(nb)

                    @pl.when(c >= NBUF - 1)
                    def _():
                        wait_store(nb)

                    fire_gathers(nb)

                drain_gathers(b)
                start_idx(jnp.minimum(c + NBUF, n_chunks - 1), b)
                pltpu.async_copy(
                    rows_v.at[b],
                    out_hbm.at[pl.ds(base + c * CHUNK, CHUNK), pl.ds(0, D)],
                    osem[b],
                )
            return carry

        lax.fori_loop(0, n_chunks // NBUF, body, 0)

        for b in range(NBUF):
            wait_store(b)
            pltpu.make_async_copy(
                idx_hbm.at[pl.ds(0, CHUNK)], idx_v.at[b], isem[b]
            ).wait()

    return gather_kernel


def kernel(constraint_idx, table):
    B = constraint_idx.size
    D = table.shape[1]
    idx = constraint_idx.reshape(-1).astype(jnp.int32)
    out = _make_gather(B, D)(idx, table)
    return out[:, :D].reshape(*constraint_idx.shape, D)

# --- scband reference (transcript-rebuilt; emitter-appended) ---
"""Pipeline reference for scband-constraint-embedding-75634374083191 (READ-ONLY COPY).

The authoritative reference and input builder live on the scoring server;
editing this copy changes nothing except your own understanding.
"""

import jax, jax.numpy as jnp
import numpy as np

NUM_CONSTRAINTS = 1000000
EMBED_DIM = 64
NUM_ROWS = NUM_CONSTRAINTS + 2  # module adds 2 rows, padding_idx=0


def setup_inputs(seed: int = 0) -> dict:
    key = jax.random.key(seed)
    k1, k2 = jax.random.split(key)
    constraint_idx = jax.random.randint(k1, (16384, 200), 0, NUM_ROWS, dtype=jnp.int64)
    table = jax.random.normal(k2, (NUM_ROWS, EMBED_DIM), dtype=jnp.float32)
    # padding_idx=0 row is zeros in torch.nn.Embedding
    table = table.at[0].set(0.0)
    return {"constraint_idx": constraint_idx, "table": table}


def reference(constraint_idx, table):
    # torch.nn.Embedding forward == row gather
    return jnp.take(table, constraint_idx, axis=0)

if __name__ == "__main__":
    import jax
    _d = setup_inputs()
    print(jax.jit(kernel)(*tuple(_d.values())))

</pallas_src>

<mosaic_0001>
#map = affine_map<(d0, d1) -> (0)>
#map1 = affine_map<(d0, d1) -> (0, 0)>
module attributes {stable_mosaic.version = 14 : i64} {
  func.func @gather_kernel(%arg0: i32, %arg1: i32, %arg2: memref<3276800xi32, #tpu.memory_space<hbm>>, %arg3: memref<1000002x64xf32, #tpu.memory_space<hbm>>, %arg4: memref<3276800x128xf32, #tpu.memory_space<hbm>>, %arg5: memref<2x512xi32, #tpu.memory_space<vmem>>, %arg6: memref<2x512x64xf32, #tpu.memory_space<vmem>>, %arg7: memref<!tpu.dma_semaphore, #tpu.memory_space<semaphore_mem>>, %arg8: memref<!tpu.dma_semaphore, #tpu.memory_space<semaphore_mem>>, %arg9: memref<!tpu.dma_semaphore, #tpu.memory_space<semaphore_mem>>, %arg10: memref<!tpu.dma_semaphore, #tpu.memory_space<semaphore_mem>>, %arg11: memref<!tpu.dma_semaphore, #tpu.memory_space<semaphore_mem>>, %arg12: memref<!tpu.dma_semaphore, #tpu.memory_space<semaphore_mem>>) attributes {dimension_semantics = [#tpu.dimension_semantics<core_parallel>, #tpu.dimension_semantics<subcore_parallel>], iteration_bounds = array<i64: 2, 16>, scalar_prefetch = 0 : i64, scratch_operands = 8 : i64, tpu.core_type = #tpu.core_type<sc_vector_subcore>, window_params = [{transform_indices = #map}, {transform_indices = #map1}, {transform_indices = #map1}]} {
    %mul3A = arith.constant 2 : i32
    %mul3A_0 = arith.muli %arg1, %mul3A : i32
    %add3A = arith.addi %mul3A_0, %arg0 : i32
    %mul3A_1 = arith.constant 102400 : i32
    %mul3A_2 = arith.muli %add3A, %mul3A_1 : i32
    %add3A_3 = arith.constant 0 : i32
    %add3A_4 = arith.addi %mul3A_2, %add3A_3 : i32
    %dma_start3A = arith.constant 0 : i32
    %dma_start3A_5 = arith.constant 0 : i32
    %dma_start3A_6 = tpu.memref_slice %arg5[%dma_start3A, %dma_start3A_5] : memref<2x512xi32, #tpu.memory_space<vmem>> -> memref<1x512xi32, #tpu.memory_space<vmem>>
    %dma_start3A_7 = tpu.memref_squeeze %dma_start3A_6 : memref<1x512xi32, #tpu.memory_space<vmem>> -> memref<512xi32, #tpu.memory_space<vmem>>
    %dma_start3A_8 = tpu.memref_slice %arg2[%add3A_4] : memref<3276800xi32, #tpu.memory_space<hbm>> -> memref<512xi32, #tpu.memory_space<hbm>>
    %dma_start3A_9 = arith.constant 0 : i32
    %dma_start3A_10 = tpu.memref_slice %arg5[%dma_start3A, %dma_start3A_9] : memref<2x512xi32, #tpu.memory_space<vmem>> -> memref<1x512xi32, #tpu.memory_space<vmem>>
    %dma_start3A_11 = tpu.memref_squeeze %dma_start3A_10 : memref<1x512xi32, #tpu.memory_space<vmem>> -> memref<512xi32, #tpu.memory_space<vmem>>
    %dma_start3A_12 = tpu.memref_slice %arg2[%add3A_4] : memref<3276800xi32, #tpu.memory_space<hbm>> -> memref<512xi32, #tpu.memory_space<hbm>>
    tpu.enqueue_dma source(%dma_start3A_12 : memref<512xi32, #tpu.memory_space<hbm>>) target(%dma_start3A_11 : memref<512xi32, #tpu.memory_space<vmem>>) target_semaphore(%arg7 : memref<!tpu.dma_semaphore, #tpu.memory_space<semaphore_mem>>)
    %add3A_13 = arith.constant 512 : i32
    %add3A_14 = arith.addi %mul3A_2, %add3A_13 : i32
    %dma_start3A_15 = arith.constant 1 : i32
    %dma_start3A_16 = arith.constant 0 : i32
    %dma_start3A_17 = tpu.memref_slice %arg5[%dma_start3A_15, %dma_start3A_16] : memref<2x512xi32, #tpu.memory_space<vmem>> -> memref<1x512xi32, #tpu.memory_space<vmem>>
    %dma_start3A_18 = tpu.memref_squeeze %dma_start3A_17 : memref<1x512xi32, #tpu.memory_space<vmem>> -> memref<512xi32, #tpu.memory_space<vmem>>
    %dma_start3A_19 = tpu.memref_slice %arg2[%add3A_14] : memref<3276800xi32, #tpu.memory_space<hbm>> -> memref<512xi32, #tpu.memory_space<hbm>>
    %dma_start3A_20 = arith.constant 0 : i32
    %dma_start3A_21 = tpu.memref_slice %arg5[%dma_start3A_15, %dma_start3A_20] : memref<2x512xi32, #tpu.memory_space<vmem>> -> memref<1x512xi32, #tpu.memory_space<vmem>>
    %dma_start3A_22 = tpu.memref_squeeze %dma_start3A_21 : memref<1x512xi32, #tpu.memory_space<vmem>> -> memref<512xi32, #tpu.memory_space<vmem>>
    %dma_start3A_23 = tpu.memref_slice %arg2[%add3A_14] : memref<3276800xi32, #tpu.memory_space<hbm>> -> memref<512xi32, #tpu.memory_space<hbm>>
    tpu.enqueue_dma source(%dma_start3A_23 : memref<512xi32, #tpu.memory_space<hbm>>) target(%dma_start3A_22 : memref<512xi32, #tpu.memory_space<vmem>>) target_semaphore(%arg8 : memref<!tpu.dma_semaphore, #tpu.memory_space<semaphore_mem>>)
    %dma_wait3A = arith.constant 0 : i32
    %dma_wait3A_24 = arith.constant 0 : i32
    %dma_wait3A_25 = tpu.memref_slice %arg5[%dma_wait3A, %dma_wait3A_24] : memref<2x512xi32, #tpu.memory_space<vmem>> -> memref<1x512xi32, #tpu.memory_space<vmem>>
    %dma_wait3A_26 = tpu.memref_squeeze %dma_wait3A_25 : memref<1x512xi32, #tpu.memory_space<vmem>> -> memref<512xi32, #tpu.memory_space<vmem>>
    %dma_wait3A_27 = arith.constant 0 : i32
    %dma_wait3A_28 = tpu.memref_slice %arg2[%dma_wait3A_27] : memref<3276800xi32, #tpu.memory_space<hbm>> -> memref<512xi32, #tpu.memory_space<hbm>>
    %dma_wait3A_29 = arith.constant 0 : i32
    %dma_wait3A_30 = tpu.memref_slice %arg5[%dma_wait3A, %dma_wait3A_29] : memref<2x512xi32, #tpu.memory_space<vmem>> -> memref<1x512xi32, #tpu.memory_space<vmem>>
    %dma_wait3A_31 = tpu.memref_squeeze %dma_wait3A_30 : memref<1x512xi32, #tpu.memory_space<vmem>> -> memref<512xi32, #tpu.memory_space<vmem>>
    %dma_wait3A_32 = arith.constant 0 : i32
    %dma_wait3A_33 = tpu.memref_slice %arg2[%dma_wait3A_32] : memref<3276800xi32, #tpu.memory_space<hbm>> -> memref<512xi32, #tpu.memory_space<hbm>>
    tpu.wait_dma2 semaphore(%arg7 : memref<!tpu.dma_semaphore, #tpu.memory_space<semaphore_mem>>) src(%dma_wait3A_33 : memref<512xi32, #tpu.memory_space<hbm>>) dst(%dma_wait3A_31 : memref<512xi32, #tpu.memory_space<vmem>>)
    %dma_start3A_34 = arith.constant 0 : i32
    %dma_start3A_35 = arith.constant 0 : i32
    %dma_start3A_36 = arith.constant 0 : i32
    %dma_start3A_37 = arith.constant 0 : i32
    %dma_start3A_38 = tpu.memref_slice %arg6[%dma_start3A_35, %dma_start3A_36, %dma_start3A_37] : memref<2x512x64xf32, #tpu.memory_space<vmem>> -> memref<1x128x64xf32, #tpu.memory_space<vmem>>
    %dma_start3A_39 = tpu.memref_squeeze %dma_start3A_38 : memref<1x128x64xf32, #tpu.memory_space<vmem>> -> memref<128x64xf32, #tpu.memory_space<vmem>>
    %dma_start3A_40 = arith.constant 0 : i32
    %dma_start3A_41 = tpu.memref_slice %arg5[%dma_start3A_34, %dma_start3A_40] : memref<2x512xi32, #tpu.memory_space<vmem>> -> memref<1x128xi32, #tpu.memory_space<vmem>>
    %dma_start3A_42 = tpu.memref_squeeze %dma_start3A_41 : memref<1x128xi32, #tpu.memory_space<vmem>> -> memref<128xi32, #tpu.memory_space<vmem>>
    %dma_start3A_43 = arith.constant 0 : i32
    %dma_start3A_44 = arith.constant 0 : i32
    %dma_start3A_45 = tpu.memref_slice %arg3[%dma_start3A_43, %dma_start3A_44] : memref<1000002x64xf32, #tpu.memory_space<hbm>> -> memref<1000002x64xf32, #tpu.memory_space<hbm>>
    tpu.enqueue_indirect_dma source(%dma_start3A_45 : memref<1000002x64xf32, #tpu.memory_space<hbm>>) target(%dma_start3A_39 : memref<128x64xf32, #tpu.memory_space<vmem>>) offsets(%dma_start3A_42 : memref<128xi32, #tpu.memory_space<vmem>>) semaphore(%arg9 : memref<!tpu.dma_semaphore, #tpu.memory_space<semaphore_mem>>)
    %dma_start3A_46 = arith.constant 0 : i32
    %dma_start3A_47 = arith.constant 0 : i32
    %dma_start3A_48 = arith.constant 128 : i32
    %dma_start3A_49 = arith.constant 0 : i32
    %dma_start3A_50 = tpu.memref_slice %arg6[%dma_start3A_47, %dma_start3A_48, %dma_start3A_49] : memref<2x512x64xf32, #tpu.memory_space<vmem>> -> memref<1x128x64xf32, #tpu.memory_space<vmem>>
    %dma_start3A_51 = tpu.memref_squeeze %dma_start3A_50 : memref<1x128x64xf32, #tpu.memory_space<vmem>> -> memref<128x64xf32, #tpu.memory_space<vmem>>
    %dma_start3A_52 = arith.constant 128 : i32
    %dma_start3A_53 = tpu.memref_slice %arg5[%dma_start3A_46, %dma_start3A_52] : memref<2x512xi32, #tpu.memory_space<vmem>> -> memref<1x128xi32, #tpu.memory_space<vmem>>
    %dma_start3A_54 = tpu.memref_squeeze %dma_start3A_53 : memref<1x128xi32, #tpu.memory_space<vmem>> -> memref<128xi32, #tpu.memory_space<vmem>>
    %dma_start3A_55 = arith.constant 0 : i32
    %dma_start3A_56 = arith.constant 0 : i32
    %dma_start3A_57 = tpu.memref_slice %arg3[%dma_start3A_55, %dma_start3A_56] : memref<1000002x64xf32, #tpu.memory_space<hbm>> -> memref<1000002x64xf32, #tpu.memory_space<hbm>>
    tpu.enqueue_indirect_dma source(%dma_start3A_57 : memref<1000002x64xf32, #tpu.memory_space<hbm>>) target(%dma_start3A_51 : memref<128x64xf32, #tpu.memory_space<vmem>>) offsets(%dma_start3A_54 : memref<128xi32, #tpu.memory_space<vmem>>) semaphore(%arg9 : memref<!tpu.dma_semaphore, #tpu.memory_space<semaphore_mem>>)
    %dma_start3A_58 = arith.constant 0 : i32
    %dma_start3A_59 = arith.constant 0 : i32
    %dma_start3A_60 = arith.constant 256 : i32
    %dma_start3A_61 = arith.constant 0 : i32
    %dma_start3A_62 = tpu.memref_slice %arg6[%dma_start3A_59, %dma_start3A_60, %dma_start3A_61] : memref<2x512x64xf32, #tpu.memory_space<vmem>> -> memref<1x128x64xf32, #tpu.memory_space<vmem>>
    %dma_start3A_63 = tpu.memref_squeeze %dma_start3A_62 : memref<1x128x64xf32, #tpu.memory_space<vmem>> -> memref<128x64xf32, #tpu.memory_space<vmem>>
    %dma_start3A_64 = arith.constant 256 : i32
    %dma_start3A_65 = tpu.memref_slice %arg5[%dma_start3A_58, %dma_start3A_64] : memref<2x512xi32, #tpu.memory_space<vmem>> -> memref<1x128xi32, #tpu.memory_space<vmem>>
    %dma_start3A_66 = tpu.memref_squeeze %dma_start3A_65 : memref<1x128xi32, #tpu.memory_space<vmem>> -> memref<128xi32, #tpu.memory_space<vmem>>
    %dma_start3A_67 = arith.constant 0 : i32
    %dma_start3A_68 = arith.constant 0 : i32
    %dma_start3A_69 = tpu.memref_slice %arg3[%dma_start3A_67, %dma_start3A_68] : memref<1000002x64xf32, #tpu.memory_space<hbm>> -> memref<1000002x64xf32, #tpu.memory_space<hbm>>
    tpu.enqueue_indirect_dma source(%dma_start3A_69 : memref<1000002x64xf32, #tpu.memory_space<hbm>>) target(%dma_start3A_63 : memref<128x64xf32, #tpu.memory_space<vmem>>) offsets(%dma_start3A_66 : memref<128xi32, #tpu.memory_space<vmem>>) semaphore(%arg9 : memref<!tpu.dma_semaphore, #tpu.memory_space<semaphore_mem>>)
    %dma_start3A_70 = arith.constant 0 : i32
    %dma_start3A_71 = arith.constant 0 : i32
    %dma_start3A_72 = arith.constant 384 : i32
    %dma_start3A_73 = arith.constant 0 : i32
    %dma_start3A_74 = tpu.memref_slice %arg6[%dma_start3A_71, %dma_start3A_72, %dma_start3A_73] : memref<2x512x64xf32, #tpu.memory_space<vmem>> -> memref<1x128x64xf32, #tpu.memory_space<vmem>>
    %dma_start3A_75 = tpu.memref_squeeze %dma_start3A_74 : memref<1x128x64xf32, #tpu.memory_space<vmem>> -> memref<128x64xf32, #tpu.memory_space<vmem>>
    %dma_start3A_76 = arith.constant 384 : i32
    %dma_start3A_77 = tpu.memref_slice %arg5[%dma_start3A_70, %dma_start3A_76] : memref<2x512xi32, #tpu.memory_space<vmem>> -> memref<1x128xi32, #tpu.memory_space<vmem>>
    %dma_start3A_78 = tpu.memref_squeeze %dma_start3A_77 : memref<1x128xi32, #tpu.memory_space<vmem>> -> memref<128xi32, #tpu.memory_space<vmem>>
    %dma_start3A_79 = arith.constant 0 : i32
    %dma_start3A_80 = arith.constant 0 : i32
    %dma_start3A_81 = tpu.memref_slice %arg3[%dma_start3A_79, %dma_start3A_80] : memref<1000002x64xf32, #tpu.memory_space<hbm>> -> memref<1000002x64xf32, #tpu.memory_space<hbm>>
    tpu.enqueue_indirect_dma source(%dma_start3A_81 : memref<1000002x64xf32, #tpu.memory_space<hbm>>) target(%dma_start3A_75 : memref<128x64xf32, #tpu.memory_space<vmem>>) offsets(%dma_start3A_78 : memref<128xi32, #tpu.memory_space<vmem>>) semaphore(%arg9 : memref<!tpu.dma_semaphore, #tpu.memory_space<semaphore_mem>>)
    %scan3A = arith.constant 0 : i32
    %scan3A_82 = arith.constant 0 : i32
    %scan3A_83 = arith.constant 100 : i32
    %scan3A_84 = arith.addi %scan3A_82, %scan3A_83 : i32
    %scan3A_85 = arith.constant 1 : i32
    scf.for %scan3A_139 = %scan3A_82 to %scan3A_84 step %scan3A_85  : i32 {
      %mul3A_140 = arith.constant 2 : i32
      %mul3A_141 = arith.muli %scan3A_139, %mul3A_140 : i32
      %add3A_142 = arith.constant 0 : i32
      %add3A_143 = arith.addi %mul3A_141, %add3A_142 : i32
      %lt3A = arith.constant 199 : i32
      %lt3A_144 = arith.cmpi slt, %add3A_143, %lt3A : i32
      %convert_element_type3A = arith.extui %lt3A_144 : i1 to i32
      %cond3A = arith.constant 0 : i32
      %cond3A_145 = arith.cmpi ne, %convert_element_type3A, %cond3A : i32
      scf.if %cond3A_145 {
        %dma_wait3A_314 = arith.constant 1 : i32
        %dma_wait3A_315 = arith.constant 0 : i32
        %dma_wait3A_316 = tpu.memref_slice %arg5[%dma_wait3A_314, %dma_wait3A_315] : memref<2x512xi32, #tpu.memory_space<vmem>> -> memref<1x512xi32, #tpu.memory_space<vmem>>
        %dma_wait3A_317 = tpu.memref_squeeze %dma_wait3A_316 : memref<1x512xi32, #tpu.memory_space<vmem>> -> memref<512xi32, #tpu.memory_space<vmem>>
        %dma_wait3A_318 = arith.constant 0 : i32
        %dma_wait3A_319 = tpu.memref_slice %arg2[%dma_wait3A_318] : memref<3276800xi32, #tpu.memory_space<hbm>> -> memref<512xi32, #tpu.memory_space<hbm>>
        %dma_wait3A_320 = arith.constant 0 : i32
        %dma_wait3A_321 = tpu.memref_slice %arg5[%dma_wait3A_314, %dma_wait3A_320] : memref<2x512xi32, #tpu.memory_space<vmem>> -> memref<1x512xi32, #tpu.memory_space<vmem>>
        %dma_wait3A_322 = tpu.memref_squeeze %dma_wait3A_321 : memref<1x512xi32, #tpu.memory_space<vmem>> -> memref<512xi32, #tpu.memory_space<vmem>>
        %dma_wait3A_323 = arith.constant 0 : i32
        %dma_wait3A_324 = tpu.memref_slice %arg2[%dma_wait3A_323] : memref<3276800xi32, #tpu.memory_space<hbm>> -> memref<512xi32, #tpu.memory_space<hbm>>
        tpu.wait_dma2 semaphore(%arg8 : memref<!tpu.dma_semaphore, #tpu.memory_space<semaphore_mem>>) src(%dma_wait3A_324 : memref<512xi32, #tpu.memory_space<hbm>>) dst(%dma_wait3A_322 : memref<512xi32, #tpu.memory_space<vmem>>)
        %ge3A = arith.constant 1 : i32
        %ge3A_325 = arith.cmpi sge, %add3A_143, %ge3A : i32
        %convert_element_type3A_326 = arith.extui %ge3A_325 : i1 to i32
        %cond3A_327 = arith.constant 0 : i32
        %cond3A_328 = arith.cmpi ne, %convert_element_type3A_326, %cond3A_327 : i32
        scf.if %cond3A_328 {
          %dma_wait3A_377 = arith.constant 1 : i32
          %dma_wait3A_378 = arith.constant 0 : i32
          %dma_wait3A_379 = arith.constant 0 : i32
          %dma_wait3A_380 = tpu.memref_slice %arg6[%dma_wait3A_377, %dma_wait3A_378, %dma_wait3A_379] : memref<2x512x64xf32, #tpu.memory_space<vmem>> -> memref<1x512x64xf32, #tpu.memory_space<vmem>>
          %dma_wait3A_381 = tpu.memref_squeeze %dma_wait3A_380 : memref<1x512x64xf32, #tpu.memory_space<vmem>> -> memref<512x64xf32, #tpu.memory_space<vmem>>
          %dma_wait3A_382 = arith.constant 0 : i32
          %dma_wait3A_383 = arith.constant 0 : i32
          %dma_wait3A_384 = tpu.memref_slice %arg4[%dma_wait3A_382, %dma_wait3A_383] : memref<3276800x128xf32, #tpu.memory_space<hbm>> -> memref<512x64xf32, #tpu.memory_space<hbm>>
          %dma_wait3A_385 = arith.constant 0 : i32
          %dma_wait3A_386 = arith.constant 0 : i32
          %dma_wait3A_387 = tpu.memref_slice %arg4[%dma_wait3A_385, %dma_wait3A_386] : memref<3276800x128xf32, #tpu.memory_space<hbm>> -> memref<512x64xf32, #tpu.memory_space<hbm>>
          %dma_wait3A_388 = arith.constant 0 : i32
          %dma_wait3A_389 = arith.constant 0 : i32
          %dma_wait3A_390 = tpu.memref_slice %arg6[%dma_wait3A_377, %dma_wait3A_388, %dma_wait3A_389] : memref<2x512x64xf32, #tpu.memory_space<vmem>> -> memref<1x512x64xf32, #tpu.memory_space<vmem>>
          %dma_wait3A_391 = tpu.memref_squeeze %dma_wait3A_390 : memref<1x512x64xf32, #tpu.memory_space<vmem>> -> memref<512x64xf32, #tpu.memory_space<vmem>>
          tpu.wait_dma2 semaphore(%arg12 : memref<!tpu.dma_semaphore, #tpu.memory_space<semaphore_mem>>) src(%dma_wait3A_391 : memref<512x64xf32, #tpu.memory_space<vmem>>) dst(%dma_wait3A_387 : memref<512x64xf32, #tpu.memory_space<hbm>>)
        } else {
        }
        %dma_start3A_329 = arith.constant 1 : i32
        %dma_start3A_330 = arith.constant 1 : i32
        %dma_start3A_331 = arith.constant 0 : i32
        %dma_start3A_332 = arith.constant 0 : i32
        %dma_start3A_333 = tpu.memref_slice %arg6[%dma_start3A_330, %dma_start3A_331, %dma_start3A_332] : memref<2x512x64xf32, #tpu.memory_space<vmem>> -> memref<1x128x64xf32, #tpu.memory_space<vmem>>
        %dma_start3A_334 = tpu.memref_squeeze %dma_start3A_333 : memref<1x128x64xf32, #tpu.memory_space<vmem>> -> memref<128x64xf32, #tpu.memory_space<vmem>>
        %dma_start3A_335 = arith.constant 0 : i32
        %dma_start3A_336 = tpu.memref_slice %arg5[%dma_start3A_329, %dma_start3A_335] : memref<2x512xi32, #tpu.memory_space<vmem>> -> memref<1x128xi32, #tpu.memory_space<vmem>>
        %dma_start3A_337 = tpu.memref_squeeze %dma_start3A_336 : memref<1x128xi32, #tpu.memory_space<vmem>> -> memref<128xi32, #tpu.memory_space<vmem>>
        %dma_start3A_338 = arith.constant 0 : i32
        %dma_start3A_339 = arith.constant 0 : i32
        %dma_start3A_340 = tpu.memref_slice %arg3[%dma_start3A_338, %dma_start3A_339] : memref<1000002x64xf32, #tpu.memory_space<hbm>> -> memref<1000002x64xf32, #tpu.memory_space<hbm>>
        tpu.enqueue_indirect_dma source(%dma_start3A_340 : memref<1000002x64xf32, #tpu.memory_space<hbm>>) target(%dma_start3A_334 : memref<128x64xf32, #tpu.memory_space<vmem>>) offsets(%dma_start3A_337 : memref<128xi32, #tpu.memory_space<vmem>>) semaphore(%arg10 : memref<!tpu.dma_semaphore, #tpu.memory_space<semaphore_mem>>)
        %dma_start3A_341 = arith.constant 1 : i32
        %dma_start3A_342 = arith.constant 1 : i32
        %dma_start3A_343 = arith.constant 128 : i32
        %dma_start3A_344 = arith.constant 0 : i32
        %dma_start3A_345 = tpu.memref_slice %arg6[%dma_start3A_342, %dma_start3A_343, %dma_start3A_344] : memref<2x512x64xf32, #tpu.memory_space<vmem>> -> memref<1x128x64xf32, #tpu.memory_space<vmem>>
        %dma_start3A_346 = tpu.memref_squeeze %dma_start3A_345 : memref<1x128x64xf32, #tpu.memory_space<vmem>> -> memref<128x64xf32, #tpu.memory_space<vmem>>
        %dma_start3A_347 = arith.constant 128 : i32
        %dma_start3A_348 = tpu.memref_slice %arg5[%dma_start3A_341, %dma_start3A_347] : memref<2x512xi32, #tpu.memory_space<vmem>> -> memref<1x128xi32, #tpu.memory_space<vmem>>
        %dma_start3A_349 = tpu.memref_squeeze %dma_start3A_348 : memref<1x128xi32, #tpu.memory_space<vmem>> -> memref<128xi32, #tpu.memory_space<vmem>>
        %dma_start3A_350 = arith.constant 0 : i32
        %dma_start3A_351 = arith.constant 0 : i32
        %dma_start3A_352 = tpu.memref_slice %arg3[%dma_start3A_350, %dma_start3A_351] : memref<1000002x64xf32, #tpu.memory_space<hbm>> -> memref<1000002x64xf32, #tpu.memory_space<hbm>>
        tpu.enqueue_indirect_dma source(%dma_start3A_352 : memref<1000002x64xf32, #tpu.memory_space<hbm>>) target(%dma_start3A_346 : memref<128x64xf32, #tpu.memory_space<vmem>>) offsets(%dma_start3A_349 : memref<128xi32, #tpu.memory_space<vmem>>) semaphore(%arg10 : memref<!tpu.dma_semaphore, #tpu.memory_space<semaphore_mem>>)
        %dma_start3A_353 = arith.constant 1 : i32
        %dma_start3A_354 = arith.constant 1 : i32
        %dma_start3A_355 = arith.constant 256 : i32
        %dma_start3A_356 = arith.constant 0 : i32
        %dma_start3A_357 = tpu.memref_slice %arg6[%dma_start3A_354, %dma_start3A_355, %dma_start3A_356] : memref<2x512x64xf32, #tpu.memory_space<vmem>> -> memref<1x128x64xf32, #tpu.memory_space<vmem>>
        %dma_start3A_358 = tpu.memref_squeeze %dma_start3A_357 : memref<1x128x64xf32, #tpu.memory_space<vmem>> -> memref<128x64xf32, #tpu.memory_space<vmem>>
        %dma_start3A_359 = arith.constant 256 : i32
        %dma_start3A_360 = tpu.memref_slice %arg5[%dma_start3A_353, %dma_start3A_359] : memref<2x512xi32, #tpu.memory_space<vmem>> -> memref<1x128xi32, #tpu.memory_space<vmem>>
        %dma_start3A_361 = tpu.memref_squeeze %dma_start3A_360 : memref<1x128xi32, #tpu.memory_space<vmem>> -> memref<128xi32, #tpu.memory_space<vmem>>
        %dma_start3A_362 = arith.constant 0 : i32
        %dma_start3A_363 = arith.constant 0 : i32
        %dma_start3A_364 = tpu.memref_slice %arg3[%dma_start3A_362, %dma_start3A_363] : memref<1000002x64xf32, #tpu.memory_space<hbm>> -> memref<1000002x64xf32, #tpu.memory_space<hbm>>
        tpu.enqueue_indirect_dma source(%dma_start3A_364 : memref<1000002x64xf32, #tpu.memory_space<hbm>>) target(%dma_start3A_358 : memref<128x64xf32, #tpu.memory_space<vmem>>) offsets(%dma_start3A_361 : memref<128xi32, #tpu.memory_space<vmem>>) semaphore(%arg10 : memref<!tpu.dma_semaphore, #tpu.memory_space<semaphore_mem>>)
        %dma_start3A_365 = arith.constant 1 : i32
        %dma_start3A_366 = arith.constant 1 : i32
        %dma_start3A_367 = arith.constant 384 : i32
        %dma_start3A_368 = arith.constant 0 : i32
        %dma_start3A_369 = tpu.memref_slice %arg6[%dma_start3A_366, %dma_start3A_367, %dma_start3A_368] : memref<2x512x64xf32, #tpu.memory_space<vmem>> -> memref<1x128x64xf32, #tpu.memory_space<vmem>>
        %dma_start3A_370 = tpu.memref_squeeze %dma_start3A_369 : memref<1x128x64xf32, #tpu.memory_space<vmem>> -> memref<128x64xf32, #tpu.memory_space<vmem>>
        %dma_start3A_371 = arith.constant 384 : i32
        %dma_start3A_372 = tpu.memref_slice %arg5[%dma_start3A_365, %dma_start3A_371] : memref<2x512xi32, #tpu.memory_space<vmem>> -> memref<1x128xi32, #tpu.memory_space<vmem>>
        %dma_start3A_373 = tpu.memref_squeeze %dma_start3A_372 : memref<1x128xi32, #tpu.memory_space<vmem>> -> memref<128xi32, #tpu.memory_space<vmem>>
        %dma_start3A_374 = arith.constant 0 : i32
        %dma_start3A_375 = arith.constant 0 : i32
        %dma_start3A_376 = tpu.memref_slice %arg3[%dma_start3A_374, %dma_start3A_375] : memref<1000002x64xf32, #tpu.memory_space<hbm>> -> memref<1000002x64xf32, #tpu.memory_space<hbm>>
        tpu.enqueue_indirect_dma source(%dma_start3A_376 : memref<1000002x64xf32, #tpu.memory_space<hbm>>) target(%dma_start3A_370 : memref<128x64xf32, #tpu.memory_space<vmem>>) offsets(%dma_start3A_373 : memref<128xi32, #tpu.memory_space<vmem>>) semaphore(%arg10 : memref<!tpu.dma_semaphore, #tpu.memory_space<semaphore_mem>>)
      } else {
      }
      %dma_wait3A_146 = arith.constant 0 : i32
      %dma_wait3A_147 = arith.constant 0 : i32
      %dma_wait3A_148 = arith.constant 0 : i32
      %dma_wait3A_149 = arith.constant 0 : i32
      %dma_wait3A_150 = tpu.memref_slice %arg6[%dma_wait3A_147, %dma_wait3A_148, %dma_wait3A_149] : memref<2x512x64xf32, #tpu.memory_space<vmem>> -> memref<1x128x64xf32, #tpu.memory_space<vmem>>
      %dma_wait3A_151 = tpu.memref_squeeze %dma_wait3A_150 : memref<1x128x64xf32, #tpu.memory_space<vmem>> -> memref<128x64xf32, #tpu.memory_space<vmem>>
      %dma_wait3A_152 = arith.constant 0 : i32
      %dma_wait3A_153 = tpu.memref_slice %arg5[%dma_wait3A_146, %dma_wait3A_152] : memref<2x512xi32, #tpu.memory_space<vmem>> -> memref<1x128xi32, #tpu.memory_space<vmem>>
      %dma_wait3A_154 = tpu.memref_squeeze %dma_wait3A_153 : memref<1x128xi32, #tpu.memory_space<vmem>> -> memref<128xi32, #tpu.memory_space<vmem>>
      %dma_wait3A_155 = arith.constant 0 : i32
      %dma_wait3A_156 = arith.constant 0 : i32
      %dma_wait3A_157 = tpu.memref_slice %arg3[%dma_wait3A_155, %dma_wait3A_156] : memref<1000002x64xf32, #tpu.memory_space<hbm>> -> memref<1000002x64xf32, #tpu.memory_space<hbm>>
      tpu.wait_indirect_dma semaphore(%arg9 : memref<!tpu.dma_semaphore, #tpu.memory_space<semaphore_mem>>) src(%dma_wait3A_157 : memref<1000002x64xf32, #tpu.memory_space<hbm>>) dst(%dma_wait3A_151 : memref<128x64xf32, #tpu.memory_space<vmem>>)
      %dma_wait3A_158 = arith.constant 0 : i32
      %dma_wait3A_159 = arith.constant 0 : i32
      %dma_wait3A_160 = arith.constant 0 : i32
      %dma_wait3A_161 = arith.constant 0 : i32
      %dma_wait3A_162 = tpu.memref_slice %arg6[%dma_wait3A_159, %dma_wait3A_160, %dma_wait3A_161] : memref<2x512x64xf32, #tpu.memory_space<vmem>> -> memref<1x128x64xf32, #tpu.memory_space<vmem>>
      %dma_wait3A_163 = tpu.memref_squeeze %dma_wait3A_162 : memref<1x128x64xf32, #tpu.memory_space<vmem>> -> memref<128x64xf32, #tpu.memory_space<vmem>>
      %dma_wait3A_164 = arith.constant 0 : i32
      %dma_wait3A_165 = tpu.memref_slice %arg5[%dma_wait3A_158, %dma_wait3A_164] : memref<2x512xi32, #tpu.memory_space<vmem>> -> memref<1x128xi32, #tpu.memory_space<vmem>>
      %dma_wait3A_166 = tpu.memref_squeeze %dma_wait3A_165 : memref<1x128xi32, #tpu.memory_space<vmem>> -> memref<128xi32, #tpu.memory_space<vmem>>
      %dma_wait3A_167 = arith.constant 0 : i32
      %dma_wait3A_168 = arith.constant 0 : i32
      %dma_wait3A_169 = tpu.memref_slice %arg3[%dma_wait3A_167, %dma_wait3A_168] : memref<1000002x64xf32, #tpu.memory_space<hbm>> -> memref<1000002x64xf32, #tpu.memory_space<hbm>>
      tpu.wait_indirect_dma semaphore(%arg9 : memref<!tpu.dma_semaphore, #tpu.memory_space<semaphore_mem>>) src(%dma_wait3A_169 : memref<1000002x64xf32, #tpu.memory_space<hbm>>) dst(%dma_wait3A_163 : memref<128x64xf32, #tpu.memory_space<vmem>>)
      %dma_wait3A_170 = arith.constant 0 : i32
      %dma_wait3A_171 = arith.constant 0 : i32
      %dma_wait3A_172 = arith.constant 0 : i32
      %dma_wait3A_173 = arith.constant 0 : i32
      %dma_wait3A_174 = tpu.memref_slice %arg6[%dma_wait3A_171, %dma_wait3A_172, %dma_wait3A_173] : memref<2x512x64xf32, #tpu.memory_space<vmem>> -> memref<1x128x64xf32, #tpu.memory_space<vmem>>
      %dma_wait3A_175 = tpu.memref_squeeze %dma_wait3A_174 : memref<1x128x64xf32, #tpu.memory_space<vmem>> -> memref<128x64xf32, #tpu.memory_space<vmem>>
      %dma_wait3A_176 = arith.constant 0 : i32
      %dma_wait3A_177 = tpu.memref_slice %arg5[%dma_wait3A_170, %dma_wait3A_176] : memref<2x512xi32, #tpu.memory_space<vmem>> -> memref<1x128xi32, #tpu.memory_space<vmem>>
      %dma_wait3A_178 = tpu.memref_squeeze %dma_wait3A_177 : memref<1x128xi32, #tpu.memory_space<vmem>> -> memref<128xi32, #tpu.memory_space<vmem>>
      %dma_wait3A_179 = arith.constant 0 : i32
      %dma_wait3A_180 = arith.constant 0 : i32
      %dma_wait3A_181 = tpu.memref_slice %arg3[%dma_wait3A_179, %dma_wait3A_180] : memref<1000002x64xf32, #tpu.memory_space<hbm>> -> memref<1000002x64xf32, #tpu.memory_space<hbm>>
      tpu.wait_indirect_dma semaphore(%arg9 : memref<!tpu.dma_semaphore, #tpu.memory_space<semaphore_mem>>) src(%dma_wait3A_181 : memref<1000002x64xf32, #tpu.memory_space<hbm>>) dst(%dma_wait3A_175 : memref<128x64xf32, #tpu.memory_space<vmem>>)
      %dma_wait3A_182 = arith.constant 0 : i32
      %dma_wait3A_183 = arith.constant 0 : i32
      %dma_wait3A_184 = arith.constant 0 : i32
      %dma_wait3A_185 = arith.constant 0 : i32
      %dma_wait3A_186 = tpu.memref_slice %arg6[%dma_wait3A_183, %dma_wait3A_184, %dma_wait3A_185] : memref<2x512x64xf32, #tpu.memory_space<vmem>> -> memref<1x128x64xf32, #tpu.memory_space<vmem>>
      %dma_wait3A_187 = tpu.memref_squeeze %dma_wait3A_186 : memref<1x128x64xf32, #tpu.memory_space<vmem>> -> memref<128x64xf32, #tpu.memory_space<vmem>>
      %dma_wait3A_188 = arith.constant 0 : i32
      %dma_wait3A_189 = tpu.memref_slice %arg5[%dma_wait3A_182, %dma_wait3A_188] : memref<2x512xi32, #tpu.memory_space<vmem>> -> memref<1x128xi32, #tpu.memory_space<vmem>>
      %dma_wait3A_190 = tpu.memref_squeeze %dma_wait3A_189 : memref<1x128xi32, #tpu.memory_space<vmem>> -> memref<128xi32, #tpu.memory_space<vmem>>
      %dma_wait3A_191 = arith.constant 0 : i32
      %dma_wait3A_192 = arith.constant 0 : i32
      %dma_wait3A_193 = tpu.memref_slice %arg3[%dma_wait3A_191, %dma_wait3A_192] : memref<1000002x64xf32, #tpu.memory_space<hbm>> -> memref<1000002x64xf32, #tpu.memory_space<hbm>>
      tpu.wait_indirect_dma semaphore(%arg9 : memref<!tpu.dma_semaphore, #tpu.memory_space<semaphore_mem>>) src(%dma_wait3A_193 : memref<1000002x64xf32, #tpu.memory_space<hbm>>) dst(%dma_wait3A_187 : memref<128x64xf32, #tpu.memory_space<vmem>>)
      %add3A_194 = arith.constant 2 : i32
      %add3A_195 = arith.addi %add3A_143, %add3A_194 : i32
      %min3A = arith.constant 199 : i32
      %min3A_196 = arith.minsi %add3A_195, %min3A : i32
      %mul3A_197 = arith.constant 512 : i32
      %mul3A_198 = arith.muli %min3A_196, %mul3A_197 : i32
      %add3A_199 = arith.addi %mul3A_2, %mul3A_198 : i32
      %dma_start3A_200 = arith.constant 0 : i32
      %dma_start3A_201 = arith.constant 0 : i32
      %dma_start3A_202 = tpu.memref_slice %arg5[%dma_start3A_200, %dma_start3A_201] : memref<2x512xi32, #tpu.memory_space<vmem>> -> memref<1x512xi32, #tpu.memory_space<vmem>>
      %dma_start3A_203 = tpu.memref_squeeze %dma_start3A_202 : memref<1x512xi32, #tpu.memory_space<vmem>> -> memref<512xi32, #tpu.memory_space<vmem>>
      %dma_start3A_204 = tpu.memref_slice %arg2[%add3A_199] : memref<3276800xi32, #tpu.memory_space<hbm>> -> memref<512xi32, #tpu.memory_space<hbm>>
      %dma_start3A_205 = arith.constant 0 : i32
      %dma_start3A_206 = tpu.memref_slice %arg5[%dma_start3A_200, %dma_start3A_205] : memref<2x512xi32, #tpu.memory_space<vmem>> -> memref<1x512xi32, #tpu.memory_space<vmem>>
      %dma_start3A_207 = tpu.memref_squeeze %dma_start3A_206 : memref<1x512xi32, #tpu.memory_space<vmem>> -> memref<512xi32, #tpu.memory_space<vmem>>
      %dma_start3A_208 = tpu.memref_slice %arg2[%add3A_199] : memref<3276800xi32, #tpu.memory_space<hbm>> -> memref<512xi32, #tpu.memory_space<hbm>>
      tpu.enqueue_dma source(%dma_start3A_208 : memref<512xi32, #tpu.memory_space<hbm>>) target(%dma_start3A_207 : memref<512xi32, #tpu.memory_space<vmem>>) target_semaphore(%arg7 : memref<!tpu.dma_semaphore, #tpu.memory_space<semaphore_mem>>)
      %mul3A_209 = arith.constant 512 : i32
      %mul3A_210 = arith.muli %add3A_143, %mul3A_209 : i32
      %add3A_211 = arith.addi %mul3A_2, %mul3A_210 : i32
      %dma_start3A_212 = arith.constant 0 : i32
      %dma_start3A_213 = arith.constant 0 : i32
      %dma_start3A_214 = arith.constant 0 : i32
      %dma_start3A_215 = tpu.memref_slice %arg6[%dma_start3A_212, %dma_start3A_213, %dma_start3A_214] : memref<2x512x64xf32, #tpu.memory_space<vmem>> -> memref<1x512x64xf32, #tpu.memory_space<vmem>>
      %dma_start3A_216 = tpu.memref_squeeze %dma_start3A_215 : memref<1x512x64xf32, #tpu.memory_space<vmem>> -> memref<512x64xf32, #tpu.memory_space<vmem>>
      %dma_start3A_217 = arith.constant 0 : i32
      %dma_start3A_218 = tpu.memref_slice %arg4[%add3A_211, %dma_start3A_217] : memref<3276800x128xf32, #tpu.memory_space<hbm>> -> memref<512x64xf32, #tpu.memory_space<hbm>>
      %dma_start3A_219 = arith.constant 0 : i32
      %dma_start3A_220 = tpu.memref_slice %arg4[%add3A_211, %dma_start3A_219] : memref<3276800x128xf32, #tpu.memory_space<hbm>> -> memref<512x64xf32, #tpu.memory_space<hbm>>
      %dma_start3A_221 = arith.constant 0 : i32
      %dma_start3A_222 = arith.constant 0 : i32
      %dma_start3A_223 = tpu.memref_slice %arg6[%dma_start3A_212, %dma_start3A_221, %dma_start3A_222] : memref<2x512x64xf32, #tpu.memory_space<vmem>> -> memref<1x512x64xf32, #tpu.memory_space<vmem>>
      %dma_start3A_224 = tpu.memref_squeeze %dma_start3A_223 : memref<1x512x64xf32, #tpu.memory_space<vmem>> -> memref<512x64xf32, #tpu.memory_space<vmem>>
      tpu.enqueue_dma source(%dma_start3A_224 : memref<512x64xf32, #tpu.memory_space<vmem>>) target(%dma_start3A_220 : memref<512x64xf32, #tpu.memory_space<hbm>>) target_semaphore(%arg11 : memref<!tpu.dma_semaphore, #tpu.memory_space<semaphore_mem>>)
      %mul3A_225 = arith.constant 2 : i32
      %mul3A_226 = arith.muli %scan3A_139, %mul3A_225 : i32
      %add3A_227 = arith.constant 1 : i32
      %add3A_228 = arith.addi %mul3A_226, %add3A_227 : i32
      %lt3A_229 = arith.constant 199 : i32
      %lt3A_230 = arith.cmpi slt, %add3A_228, %lt3A_229 : i32
      %convert_element_type3A_231 = arith.extui %lt3A_230 : i1 to i32
      %cond3A_232 = arith.constant 0 : i32
      %cond3A_233 = arith.cmpi ne, %convert_element_type3A_231, %cond3A_232 : i32
      scf.if %cond3A_233 {
        %dma_wait3A_314 = arith.constant 0 : i32
        %dma_wait3A_315 = arith.constant 0 : i32
        %dma_wait3A_316 = tpu.memref_slice %arg5[%dma_wait3A_314, %dma_wait3A_315] : memref<2x512xi32, #tpu.memory_space<vmem>> -> memref<1x512xi32, #tpu.memory_space<vmem>>
        %dma_wait3A_317 = tpu.memref_squeeze %dma_wait3A_316 : memref<1x512xi32, #tpu.memory_space<vmem>> -> memref<512xi32, #tpu.memory_space<vmem>>
        %dma_wait3A_318 = arith.constant 0 : i32
        %dma_wait3A_319 = tpu.memref_slice %arg2[%dma_wait3A_318] : memref<3276800xi32, #tpu.memory_space<hbm>> -> memref<512xi32, #tpu.memory_space<hbm>>
        %dma_wait3A_320 = arith.constant 0 : i32
        %dma_wait3A_321 = tpu.memref_slice %arg5[%dma_wait3A_314, %dma_wait3A_320] : memref<2x512xi32, #tpu.memory_space<vmem>> -> memref<1x512xi32, #tpu.memory_space<vmem>>
        %dma_wait3A_322 = tpu.memref_squeeze %dma_wait3A_321 : memref<1x512xi32, #tpu.memory_space<vmem>> -> memref<512xi32, #tpu.memory_space<vmem>>
        %dma_wait3A_323 = arith.constant 0 : i32
        %dma_wait3A_324 = tpu.memref_slice %arg2[%dma_wait3A_323] : memref<3276800xi32, #tpu.memory_space<hbm>> -> memref<512xi32, #tpu.memory_space<hbm>>
        tpu.wait_dma2 semaphore(%arg7 : memref<!tpu.dma_semaphore, #tpu.memory_space<semaphore_mem>>) src(%dma_wait3A_324 : memref<512xi32, #tpu.memory_space<hbm>>) dst(%dma_wait3A_322 : memref<512xi32, #tpu.memory_space<vmem>>)
        %ge3A = arith.constant 1 : i32
        %ge3A_325 = arith.cmpi sge, %add3A_228, %ge3A : i32
        %convert_element_type3A_326 = arith.extui %ge3A_325 : i1 to i32
        %cond3A_327 = arith.constant 0 : i32
        %cond3A_328 = arith.cmpi ne, %convert_element_type3A_326, %cond3A_327 : i32
        scf.if %cond3A_328 {
          %dma_wait3A_377 = arith.constant 0 : i32
          %dma_wait3A_378 = arith.constant 0 : i32
          %dma_wait3A_379 = arith.constant 0 : i32
          %dma_wait3A_380 = tpu.memref_slice %arg6[%dma_wait3A_377, %dma_wait3A_378, %dma_wait3A_379] : memref<2x512x64xf32, #tpu.memory_space<vmem>> -> memref<1x512x64xf32, #tpu.memory_space<vmem>>
          %dma_wait3A_381 = tpu.memref_squeeze %dma_wait3A_380 : memref<1x512x64xf32, #tpu.memory_space<vmem>> -> memref<512x64xf32, #tpu.memory_space<vmem>>
          %dma_wait3A_382 = arith.constant 0 : i32
          %dma_wait3A_383 = arith.constant 0 : i32
          %dma_wait3A_384 = tpu.memref_slice %arg4[%dma_wait3A_382, %dma_wait3A_383] : memref<3276800x128xf32, #tpu.memory_space<hbm>> -> memref<512x64xf32, #tpu.memory_space<hbm>>
          %dma_wait3A_385 = arith.constant 0 : i32
          %dma_wait3A_386 = arith.constant 0 : i32
          %dma_wait3A_387 = tpu.memref_slice %arg4[%dma_wait3A_385, %dma_wait3A_386] : memref<3276800x128xf32, #tpu.memory_space<hbm>> -> memref<512x64xf32, #tpu.memory_space<hbm>>
          %dma_wait3A_388 = arith.constant 0 : i32
          %dma_wait3A_389 = arith.constant 0 : i32
          %dma_wait3A_390 = tpu.memref_slice %arg6[%dma_wait3A_377, %dma_wait3A_388, %dma_wait3A_389] : memref<2x512x64xf32, #tpu.memory_space<vmem>> -> memref<1x512x64xf32, #tpu.memory_space<vmem>>
          %dma_wait3A_391 = tpu.memref_squeeze %dma_wait3A_390 : memref<1x512x64xf32, #tpu.memory_space<vmem>> -> memref<512x64xf32, #tpu.memory_space<vmem>>
          tpu.wait_dma2 semaphore(%arg11 : memref<!tpu.dma_semaphore, #tpu.memory_space<semaphore_mem>>) src(%dma_wait3A_391 : memref<512x64xf32, #tpu.memory_space<vmem>>) dst(%dma_wait3A_387 : memref<512x64xf32, #tpu.memory_space<hbm>>)
        } else {
        }
        %dma_start3A_329 = arith.constant 0 : i32
        %dma_start3A_330 = arith.constant 0 : i32
        %dma_start3A_331 = arith.constant 0 : i32
        %dma_start3A_332 = arith.constant 0 : i32
        %dma_start3A_333 = tpu.memref_slice %arg6[%dma_start3A_330, %dma_start3A_331, %dma_start3A_332] : memref<2x512x64xf32, #tpu.memory_space<vmem>> -> memref<1x128x64xf32, #tpu.memory_space<vmem>>
        %dma_start3A_334 = tpu.memref_squeeze %dma_start3A_333 : memref<1x128x64xf32, #tpu.memory_space<vmem>> -> memref<128x64xf32, #tpu.memory_space<vmem>>
        %dma_start3A_335 = arith.constant 0 : i32
        %dma_start3A_336 = tpu.memref_slice %arg5[%dma_start3A_329, %dma_start3A_335] : memref<2x512xi32, #tpu.memory_space<vmem>> -> memref<1x128xi32, #tpu.memory_space<vmem>>
        %dma_start3A_337 = tpu.memref_squeeze %dma_start3A_336 : memref<1x128xi32, #tpu.memory_space<vmem>> -> memref<128xi32, #tpu.memory_space<vmem>>
        %dma_start3A_338 = arith.constant 0 : i32
        %dma_start3A_339 = arith.constant 0 : i32
        %dma_start3A_340 = tpu.memref_slice %arg3[%dma_start3A_338, %dma_start3A_339] : memref<1000002x64xf32, #tpu.memory_space<hbm>> -> memref<1000002x64xf32, #tpu.memory_space<hbm>>
        tpu.enqueue_indirect_dma source(%dma_start3A_340 : memref<1000002x64xf32, #tpu.memory_space<hbm>>) target(%dma_start3A_334 : memref<128x64xf32, #tpu.memory_space<vmem>>) offsets(%dma_start3A_337 : memref<128xi32, #tpu.memory_space<vmem>>) semaphore(%arg9 : memref<!tpu.dma_semaphore, #tpu.memory_space<semaphore_mem>>)
        %dma_start3A_341 = arith.constant 0 : i32
        %dma_start3A_342 = arith.constant 0 : i32
        %dma_start3A_343 = arith.constant 128 : i32
        %dma_start3A_344 = arith.constant 0 : i32
        %dma_start3A_345 = tpu.memref_slice %arg6[%dma_start3A_342, %dma_start3A_343, %dma_start3A_344] : memref<2x512x64xf32, #tpu.memory_space<vmem>> -> memref<1x128x64xf32, #tpu.memory_space<vmem>>
        %dma_start3A_346 = tpu.memref_squeeze %dma_start3A_345 : memref<1x128x64xf32, #tpu.memory_space<vmem>> -> memref<128x64xf32, #tpu.memory_space<vmem>>
        %dma_start3A_347 = arith.constant 128 : i32
        %dma_start3A_348 = tpu.memref_slice %arg5[%dma_start3A_341, %dma_start3A_347] : memref<2x512xi32, #tpu.memory_space<vmem>> -> memref<1x128xi32, #tpu.memory_space<vmem>>
        %dma_start3A_349 = tpu.memref_squeeze %dma_start3A_348 : memref<1x128xi32, #tpu.memory_space<vmem>> -> memref<128xi32, #tpu.memory_space<vmem>>
        %dma_start3A_350 = arith.constant 0 : i32
        %dma_start3A_351 = arith.constant 0 : i32
        %dma_start3A_352 = tpu.memref_slice %arg3[%dma_start3A_350, %dma_start3A_351] : memref<1000002x64xf32, #tpu.memory_space<hbm>> -> memref<1000002x64xf32, #tpu.memory_space<hbm>>
        tpu.enqueue_indirect_dma source(%dma_start3A_352 : memref<1000002x64xf32, #tpu.memory_space<hbm>>) target(%dma_start3A_346 : memref<128x64xf32, #tpu.memory_space<vmem>>) offsets(%dma_start3A_349 : memref<128xi32, #tpu.memory_space<vmem>>) semaphore(%arg9 : memref<!tpu.dma_semaphore, #tpu.memory_space<semaphore_mem>>)
        %dma_start3A_353 = arith.constant 0 : i32
        %dma_start3A_354 = arith.constant 0 : i32
        %dma_start3A_355 = arith.constant 256 : i32
        %dma_start3A_356 = arith.constant 0 : i32
        %dma_start3A_357 = tpu.memref_slice %arg6[%dma_start3A_354, %dma_start3A_355, %dma_start3A_356] : memref<2x512x64xf32, #tpu.memory_space<vmem>> -> memref<1x128x64xf32, #tpu.memory_space<vmem>>
        %dma_start3A_358 = tpu.memref_squeeze %dma_start3A_357 : memref<1x128x64xf32, #tpu.memory_space<vmem>> -> memref<128x64xf32, #tpu.memory_space<vmem>>
        %dma_start3A_359 = arith.constant 256 : i32
        %dma_start3A_360 = tpu.memref_slice %arg5[%dma_start3A_353, %dma_start3A_359] : memref<2x512xi32, #tpu.memory_space<vmem>> -> memref<1x128xi32, #tpu.memory_space<vmem>>
        %dma_start3A_361 = tpu.memref_squeeze %dma_start3A_360 : memref<1x128xi32, #tpu.memory_space<vmem>> -> memref<128xi32, #tpu.memory_space<vmem>>
        %dma_start3A_362 = arith.constant 0 : i32
        %dma_start3A_363 = arith.constant 0 : i32
        %dma_start3A_364 = tpu.memref_slice %arg3[%dma_start3A_362, %dma_start3A_363] : memref<1000002x64xf32, #tpu.memory_space<hbm>> -> memref<1000002x64xf32, #tpu.memory_space<hbm>>
        tpu.enqueue_indirect_dma source(%dma_start3A_364 : memref<1000002x64xf32, #tpu.memory_space<hbm>>) target(%dma_start3A_358 : memref<128x64xf32, #tpu.memory_space<vmem>>) offsets(%dma_start3A_361 : memref<128xi32, #tpu.memory_space<vmem>>) semaphore(%arg9 : memref<!tpu.dma_semaphore, #tpu.memory_space<semaphore_mem>>)
        %dma_start3A_365 = arith.constant 0 : i32
        %dma_start3A_366 = arith.constant 0 : i32
        %dma_start3A_367 = arith.constant 384 : i32
        %dma_start3A_368 = arith.constant 0 : i32
        %dma_start3A_369 = tpu.memref_slice %arg6[%dma_start3A_366, %dma_start3A_367, %dma_start3A_368] : memref<2x512x64xf32, #tpu.memory_space<vmem>> -> memref<1x128x64xf32, #tpu.memory_space<vmem>>
        %dma_start3A_370 = tpu.memref_squeeze %dma_start3A_369 : memref<1x128x64xf32, #tpu.memory_space<vmem>> -> memref<128x64xf32, #tpu.memory_space<vmem>>
        %dma_start3A_371 = arith.constant 384 : i32
        %dma_start3A_372 = tpu.memref_slice %arg5[%dma_start3A_365, %dma_start3A_371] : memref<2x512xi32, #tpu.memory_space<vmem>> -> memref<1x128xi32, #tpu.memory_space<vmem>>
        %dma_start3A_373 = tpu.memref_squeeze %dma_start3A_372 : memref<1x128xi32, #tpu.memory_space<vmem>> -> memref<128xi32, #tpu.memory_space<vmem>>
        %dma_start3A_374 = arith.constant 0 : i32
        %dma_start3A_375 = arith.constant 0 : i32
        %dma_start3A_376 = tpu.memref_slice %arg3[%dma_start3A_374, %dma_start3A_375] : memref<1000002x64xf32, #tpu.memory_space<hbm>> -> memref<1000002x64xf32, #tpu.memory_space<hbm>>
        tpu.enqueue_indirect_dma source(%dma_start3A_376 : memref<1000002x64xf32, #tpu.memory_space<hbm>>) target(%dma_start3A_370 : memref<128x64xf32, #tpu.memory_space<vmem>>) offsets(%dma_start3A_373 : memref<128xi32, #tpu.memory_space<vmem>>) semaphore(%arg9 : memref<!tpu.dma_semaphore, #tpu.memory_space<semaphore_mem>>)
      } else {
      }
      %dma_wait3A_234 = arith.constant 1 : i32
      %dma_wait3A_235 = arith.constant 1 : i32
      %dma_wait3A_236 = arith.constant 0 : i32
      %dma_wait3A_237 = arith.constant 0 : i32
      %dma_wait3A_238 = tpu.memref_slice %arg6[%dma_wait3A_235, %dma_wait3A_236, %dma_wait3A_237] : memref<2x512x64xf32, #tpu.memory_space<vmem>> -> memref<1x128x64xf32, #tpu.memory_space<vmem>>
      %dma_wait3A_239 = tpu.memref_squeeze %dma_wait3A_238 : memref<1x128x64xf32, #tpu.memory_space<vmem>> -> memref<128x64xf32, #tpu.memory_space<vmem>>
      %dma_wait3A_240 = arith.constant 0 : i32
      %dma_wait3A_241 = tpu.memref_slice %arg5[%dma_wait3A_234, %dma_wait3A_240] : memref<2x512xi32, #tpu.memory_space<vmem>> -> memref<1x128xi32, #tpu.memory_space<vmem>>
      %dma_wait3A_242 = tpu.memref_squeeze %dma_wait3A_241 : memref<1x128xi32, #tpu.memory_space<vmem>> -> memref<128xi32, #tpu.memory_space<vmem>>
      %dma_wait3A_243 = arith.constant 0 : i32
      %dma_wait3A_244 = arith.constant 0 : i32
      %dma_wait3A_245 = tpu.memref_slice %arg3[%dma_wait3A_243, %dma_wait3A_244] : memref<1000002x64xf32, #tpu.memory_space<hbm>> -> memref<1000002x64xf32, #tpu.memory_space<hbm>>
      tpu.wait_indirect_dma semaphore(%arg10 : memref<!tpu.dma_semaphore, #tpu.memory_space<semaphore_mem>>) src(%dma_wait3A_245 : memref<1000002x64xf32, #tpu.memory_space<hbm>>) dst(%dma_wait3A_239 : memref<128x64xf32, #tpu.memory_space<vmem>>)
      %dma_wait3A_246 = arith.constant 1 : i32
      %dma_wait3A_247 = arith.constant 1 : i32
      %dma_wait3A_248 = arith.constant 0 : i32
      %dma_wait3A_249 = arith.constant 0 : i32
      %dma_wait3A_250 = tpu.memref_slice %arg6[%dma_wait3A_247, %dma_wait3A_248, %dma_wait3A_249] : memref<2x512x64xf32, #tpu.memory_space<vmem>> -> memref<1x128x64xf32, #tpu.memory_space<vmem>>
      %dma_wait3A_251 = tpu.memref_squeeze %dma_wait3A_250 : memref<1x128x64xf32, #tpu.memory_space<vmem>> -> memref<128x64xf32, #tpu.memory_space<vmem>>
      %dma_wait3A_252 = arith.constant 0 : i32
      %dma_wait3A_253 = tpu.memref_slice %arg5[%dma_wait3A_246, %dma_wait3A_252] : memref<2x512xi32, #tpu.memory_space<vmem>> -> memref<1x128xi32, #tpu.memory_space<vmem>>
      %dma_wait3A_254 = tpu.memref_squeeze %dma_wait3A_253 : memref<1x128xi32, #tpu.memory_space<vmem>> -> memref<128xi32, #tpu.memory_space<vmem>>
      %dma_wait3A_255 = arith.constant 0 : i32
      %dma_wait3A_256 = arith.constant 0 : i32
      %dma_wait3A_257 = tpu.memref_slice %arg3[%dma_wait3A_255, %dma_wait3A_256] : memref<1000002x64xf32, #tpu.memory_space<hbm>> -> memref<1000002x64xf32, #tpu.memory_space<hbm>>
      tpu.wait_indirect_dma semaphore(%arg10 : memref<!tpu.dma_semaphore, #tpu.memory_space<semaphore_mem>>) src(%dma_wait3A_257 : memref<1000002x64xf32, #tpu.memory_space<hbm>>) dst(%dma_wait3A_251 : memref<128x64xf32, #tpu.memory_space<vmem>>)
      %dma_wait3A_258 = arith.constant 1 : i32
      %dma_wait3A_259 = arith.constant 1 : i32
      %dma_wait3A_260 = arith.constant 0 : i32
      %dma_wait3A_261 = arith.constant 0 : i32
      %dma_wait3A_262 = tpu.memref_slice %arg6[%dma_wait3A_259, %dma_wait3A_260, %dma_wait3A_261] : memref<2x512x64xf32, #tpu.memory_space<vmem>> -> memref<1x128x64xf32, #tpu.memory_space<vmem>>
      %dma_wait3A_263 = tpu.memref_squeeze %dma_wait3A_262 : memref<1x128x64xf32, #tpu.memory_space<vmem>> -> memref<128x64xf32, #tpu.memory_space<vmem>>
      %dma_wait3A_264 = arith.constant 0 : i32
      %dma_wait3A_265 = tpu.memref_slice %arg5[%dma_wait3A_258, %dma_wait3A_264] : memref<2x512xi32, #tpu.memory_space<vmem>> -> memref<1x128xi32, #tpu.memory_space<vmem>>
      %dma_wait3A_266 = tpu.memref_squeeze %dma_wait3A_265 : memref<1x128xi32, #tpu.memory_space<vmem>> -> memref<128xi32, #tpu.memory_space<vmem>>
      %dma_wait3A_267 = arith.constant 0 : i32
      %dma_wait3A_268 = arith.constant 0 : i32
      %dma_wait3A_269 = tpu.memref_slice %arg3[%dma_wait3A_267, %dma_wait3A_268] : memref<1000002x64xf32, #tpu.memory_space<hbm>> -> memref<1000002x64xf32, #tpu.memory_space<hbm>>
      tpu.wait_indirect_dma semaphore(%arg10 : memref<!tpu.dma_semaphore, #tpu.memory_space<semaphore_mem>>) src(%dma_wait3A_269 : memref<1000002x64xf32, #tpu.memory_space<hbm>>) dst(%dma_wait3A_263 : memref<128x64xf32, #tpu.memory_space<vmem>>)
      %dma_wait3A_270 = arith.constant 1 : i32
      %dma_wait3A_271 = arith.constant 1 : i32
      %dma_wait3A_272 = arith.constant 0 : i32
      %dma_wait3A_273 = arith.constant 0 : i32
      %dma_wait3A_274 = tpu.memref_slice %arg6[%dma_wait3A_271, %dma_wait3A_272, %dma_wait3A_273] : memref<2x512x64xf32, #tpu.memory_space<vmem>> -> memref<1x128x64xf32, #tpu.memory_space<vmem>>
      %dma_wait3A_275 = tpu.memref_squeeze %dma_wait3A_274 : memref<1x128x64xf32, #tpu.memory_space<vmem>> -> memref<128x64xf32, #tpu.memory_space<vmem>>
      %dma_wait3A_276 = arith.constant 0 : i32
      %dma_wait3A_277 = tpu.memref_slice %arg5[%dma_wait3A_270, %dma_wait3A_276] : memref<2x512xi32, #tpu.memory_space<vmem>> -> memref<1x128xi32, #tpu.memory_space<vmem>>
      %dma_wait3A_278 = tpu.memref_squeeze %dma_wait3A_277 : memref<1x128xi32, #tpu.memory_space<vmem>> -> memref<128xi32, #tpu.memory_space<vmem>>
      %dma_wait3A_279 = arith.constant 0 : i32
      %dma_wait3A_280 = arith.constant 0 : i32
      %dma_wait3A_281 = tpu.memref_slice %arg3[%dma_wait3A_279, %dma_wait3A_280] : memref<1000002x64xf32, #tpu.memory_space<hbm>> -> memref<1000002x64xf32, #tpu.memory_space<hbm>>
      tpu.wait_indirect_dma semaphore(%arg10 : memref<!tpu.dma_semaphore, #tpu.memory_space<semaphore_mem>>) src(%dma_wait3A_281 : memref<1000002x64xf32, #tpu.memory_space<hbm>>) dst(%dma_wait3A_275 : memref<128x64xf32, #tpu.memory_space<vmem>>)
      %add3A_282 = arith.constant 2 : i32
      %add3A_283 = arith.addi %add3A_228, %add3A_282 : i32
      %min3A_284 = arith.constant 199 : i32
      %min3A_285 = arith.minsi %add3A_283, %min3A_284 : i32
      %mul3A_286 = arith.constant 512 : i32
      %mul3A_287 = arith.muli %min3A_285, %mul3A_286 : i32
      %add3A_288 = arith.addi %mul3A_2, %mul3A_287 : i32
      %dma_start3A_289 = arith.constant 1 : i32
      %dma_start3A_290 = arith.constant 0 : i32
      %dma_start3A_291 = tpu.memref_slice %arg5[%dma_start3A_289, %dma_start3A_290] : memref<2x512xi32, #tpu.memory_space<vmem>> -> memref<1x512xi32, #tpu.memory_space<vmem>>
      %dma_start3A_292 = tpu.memref_squeeze %dma_start3A_291 : memref<1x512xi32, #tpu.memory_space<vmem>> -> memref<512xi32, #tpu.memory_space<vmem>>
      %dma_start3A_293 = tpu.memref_slice %arg2[%add3A_288] : memref<3276800xi32, #tpu.memory_space<hbm>> -> memref<512xi32, #tpu.memory_space<hbm>>
      %dma_start3A_294 = arith.constant 0 : i32
      %dma_start3A_295 = tpu.memref_slice %arg5[%dma_start3A_289, %dma_start3A_294] : memref<2x512xi32, #tpu.memory_space<vmem>> -> memref<1x512xi32, #tpu.memory_space<vmem>>
      %dma_start3A_296 = tpu.memref_squeeze %dma_start3A_295 : memref<1x512xi32, #tpu.memory_space<vmem>> -> memref<512xi32, #tpu.memory_space<vmem>>
      %dma_start3A_297 = tpu.memref_slice %arg2[%add3A_288] : memref<3276800xi32, #tpu.memory_space<hbm>> -> memref<512xi32, #tpu.memory_space<hbm>>
      tpu.enqueue_dma source(%dma_start3A_297 : memref<512xi32, #tpu.memory_space<hbm>>) target(%dma_start3A_296 : memref<512xi32, #tpu.memory_space<vmem>>) target_semaphore(%arg8 : memref<!tpu.dma_semaphore, #tpu.memory_space<semaphore_mem>>)
      %mul3A_298 = arith.constant 512 : i32
      %mul3A_299 = arith.muli %add3A_228, %mul3A_298 : i32
      %add3A_300 = arith.addi %mul3A_2, %mul3A_299 : i32
      %dma_start3A_301 = arith.constant 1 : i32
      %dma_start3A_302 = arith.constant 0 : i32
      %dma_start3A_303 = arith.constant 0 : i32
      %dma_start3A_304 = tpu.memref_slice %arg6[%dma_start3A_301, %dma_start3A_302, %dma_start3A_303] : memref<2x512x64xf32, #tpu.memory_space<vmem>> -> memref<1x512x64xf32, #tpu.memory_space<vmem>>
      %dma_start3A_305 = tpu.memref_squeeze %dma_start3A_304 : memref<1x512x64xf32, #tpu.memory_space<vmem>> -> memref<512x64xf32, #tpu.memory_space<vmem>>
      %dma_start3A_306 = arith.constant 0 : i32
      %dma_start3A_307 = tpu.memref_slice %arg4[%add3A_300, %dma_start3A_306] : memref<3276800x128xf32, #tpu.memory_space<hbm>> -> memref<512x64xf32, #tpu.memory_space<hbm>>
      %dma_start3A_308 = arith.constant 0 : i32
      %dma_start3A_309 = tpu.memref_slice %arg4[%add3A_300, %dma_start3A_308] : memref<3276800x128xf32, #tpu.memory_space<hbm>> -> memref<512x64xf32, #tpu.memory_space<hbm>>
      %dma_start3A_310 = arith.constant 0 : i32
      %dma_start3A_311 = arith.constant 0 : i32
      %dma_start3A_312 = tpu.memref_slice %arg6[%dma_start3A_301, %dma_start3A_310, %dma_start3A_311] : memref<2x512x64xf32, #tpu.memory_space<vmem>> -> memref<1x512x64xf32, #tpu.memory_space<vmem>>
      %dma_start3A_313 = tpu.memref_squeeze %dma_start3A_312 : memref<1x512x64xf32, #tpu.memory_space<vmem>> -> memref<512x64xf32, #tpu.memory_space<vmem>>
      tpu.enqueue_dma source(%dma_start3A_313 : memref<512x64xf32, #tpu.memory_space<vmem>>) target(%dma_start3A_309 : memref<512x64xf32, #tpu.memory_space<hbm>>) target_semaphore(%arg12 : memref<!tpu.dma_semaphore, #tpu.memory_space<semaphore_mem>>)
    }
    %scan3A_86 = arith.constant 100 : i32
    %dma_wait3A_87 = arith.constant 0 : i32
    %dma_wait3A_88 = arith.constant 0 : i32
    %dma_wait3A_89 = arith.constant 0 : i32
    %dma_wait3A_90 = tpu.memref_slice %arg6[%dma_wait3A_87, %dma_wait3A_88, %dma_wait3A_89] : memref<2x512x64xf32, #tpu.memory_space<vmem>> -> memref<1x512x64xf32, #tpu.memory_space<vmem>>
    %dma_wait3A_91 = tpu.memref_squeeze %dma_wait3A_90 : memref<1x512x64xf32, #tpu.memory_space<vmem>> -> memref<512x64xf32, #tpu.memory_space<vmem>>
    %dma_wait3A_92 = arith.constant 0 : i32
    %dma_wait3A_93 = arith.constant 0 : i32
    %dma_wait3A_94 = tpu.memref_slice %arg4[%dma_wait3A_92, %dma_wait3A_93] : memref<3276800x128xf32, #tpu.memory_space<hbm>> -> memref<512x64xf32, #tpu.memory_space<hbm>>
    %dma_wait3A_95 = arith.constant 0 : i32
    %dma_wait3A_96 = arith.constant 0 : i32
    %dma_wait3A_97 = tpu.memref_slice %arg4[%dma_wait3A_95, %dma_wait3A_96] : memref<3276800x128xf32, #tpu.memory_space<hbm>> -> memref<512x64xf32, #tpu.memory_space<hbm>>
    %dma_wait3A_98 = arith.constant 0 : i32
    %dma_wait3A_99 = arith.constant 0 : i32
    %dma_wait3A_100 = tpu.memref_slice %arg6[%dma_wait3A_87, %dma_wait3A_98, %dma_wait3A_99] : memref<2x512x64xf32, #tpu.memory_space<vmem>> -> memref<1x512x64xf32, #tpu.memory_space<vmem>>
    %dma_wait3A_101 = tpu.memref_squeeze %dma_wait3A_100 : memref<1x512x64xf32, #tpu.memory_space<vmem>> -> memref<512x64xf32, #tpu.memory_space<vmem>>
    tpu.wait_dma2 semaphore(%arg11 : memref<!tpu.dma_semaphore, #tpu.memory_space<semaphore_mem>>) src(%dma_wait3A_101 : memref<512x64xf32, #tpu.memory_space<vmem>>) dst(%dma_wait3A_97 : memref<512x64xf32, #tpu.memory_space<hbm>>)
    %dma_wait3A_102 = arith.constant 0 : i32
    %dma_wait3A_103 = arith.constant 0 : i32
    %dma_wait3A_104 = tpu.memref_slice %arg5[%dma_wait3A_102, %dma_wait3A_103] : memref<2x512xi32, #tpu.memory_space<vmem>> -> memref<1x512xi32, #tpu.memory_space<vmem>>
    %dma_wait3A_105 = tpu.memref_squeeze %dma_wait3A_104 : memref<1x512xi32, #tpu.memory_space<vmem>> -> memref<512xi32, #tpu.memory_space<vmem>>
    %dma_wait3A_106 = arith.constant 0 : i32
    %dma_wait3A_107 = tpu.memref_slice %arg2[%dma_wait3A_106] : memref<3276800xi32, #tpu.memory_space<hbm>> -> memref<512xi32, #tpu.memory_space<hbm>>
    %dma_wait3A_108 = arith.constant 0 : i32
    %dma_wait3A_109 = tpu.memref_slice %arg5[%dma_wait3A_102, %dma_wait3A_108] : memref<2x512xi32, #tpu.memory_space<vmem>> -> memref<1x512xi32, #tpu.memory_space<vmem>>
    %dma_wait3A_110 = tpu.memref_squeeze %dma_wait3A_109 : memref<1x512xi32, #tpu.memory_space<vmem>> -> memref<512xi32, #tpu.memory_space<vmem>>
    %dma_wait3A_111 = arith.constant 0 : i32
    %dma_wait3A_112 = tpu.memref_slice %arg2[%dma_wait3A_111] : memref<3276800xi32, #tpu.memory_space<hbm>> -> memref<512xi32, #tpu.memory_space<hbm>>
    tpu.wait_dma2 semaphore(%arg7 : memref<!tpu.dma_semaphore, #tpu.memory_space<semaphore_mem>>) src(%dma_wait3A_112 : memref<512xi32, #tpu.memory_space<hbm>>) dst(%dma_wait3A_110 : memref<512xi32, #tpu.memory_space<vmem>>)
    %dma_wait3A_113 = arith.constant 1 : i32
    %dma_wait3A_114 = arith.constant 0 : i32
    %dma_wait3A_115 = arith.constant 0 : i32
    %dma_wait3A_116 = tpu.memref_slice %arg6[%dma_wait3A_113, %dma_wait3A_114, %dma_wait3A_115] : memref<2x512x64xf32, #tpu.memory_space<vmem>> -> memref<1x512x64xf32, #tpu.memory_space<vmem>>
    %dma_wait3A_117 = tpu.memref_squeeze %dma_wait3A_116 : memref<1x512x64xf32, #tpu.memory_space<vmem>> -> memref<512x64xf32, #tpu.memory_space<vmem>>
    %dma_wait3A_118 = arith.constant 0 : i32
    %dma_wait3A_119 = arith.constant 0 : i32
    %dma_wait3A_120 = tpu.memref_slice %arg4[%dma_wait3A_118, %dma_wait3A_119] : memref<3276800x128xf32, #tpu.memory_space<hbm>> -> memref<512x64xf32, #tpu.memory_space<hbm>>
    %dma_wait3A_121 = arith.constant 0 : i32
    %dma_wait3A_122 = arith.constant 0 : i32
    %dma_wait3A_123 = tpu.memref_slice %arg4[%dma_wait3A_121, %dma_wait3A_122] : memref<3276800x128xf32, #tpu.memory_space<hbm>> -> memref<512x64xf32, #tpu.memory_space<hbm>>
    %dma_wait3A_124 = arith.constant 0 : i32
    %dma_wait3A_125 = arith.constant 0 : i32
    %dma_wait3A_126 = tpu.memref_slice %arg6[%dma_wait3A_113, %dma_wait3A_124, %dma_wait3A_125] : memref<2x512x64xf32, #tpu.memory_space<vmem>> -> memref<1x512x64xf32, #tpu.memory_space<vmem>>
    %dma_wait3A_127 = tpu.memref_squeeze %dma_wait3A_126 : memref<1x512x64xf32, #tpu.memory_space<vmem>> -> memref<512x64xf32, #tpu.memory_space<vmem>>
    tpu.wait_dma2 semaphore(%arg12 : memref<!tpu.dma_semaphore, #tpu.memory_space<semaphore_mem>>) src(%dma_wait3A_127 : memref<512x64xf32, #tpu.memory_space<vmem>>) dst(%dma_wait3A_123 : memref<512x64xf32, #tpu.memory_space<hbm>>)
    %dma_wait3A_128 = arith.constant 1 : i32
    %dma_wait3A_129 = arith.constant 0 : i32
    %dma_wait3A_130 = tpu.memref_slice %arg5[%dma_wait3A_128, %dma_wait3A_129] : memref<2x512xi32, #tpu.memory_space<vmem>> -> memref<1x512xi32, #tpu.memory_space<vmem>>
    %dma_wait3A_131 = tpu.memref_squeeze %dma_wait3A_130 : memref<1x512xi32, #tpu.memory_space<vmem>> -> memref<512xi32, #tpu.memory_space<vmem>>
    %dma_wait3A_132 = arith.constant 0 : i32
    %dma_wait3A_133 = tpu.memref_slice %arg2[%dma_wait3A_132] : memref<3276800xi32, #tpu.memory_space<hbm>> -> memref<512xi32, #tpu.memory_space<hbm>>
    %dma_wait3A_134 = arith.constant 0 : i32
    %dma_wait3A_135 = tpu.memref_slice %arg5[%dma_wait3A_128, %dma_wait3A_134] : memref<2x512xi32, #tpu.memory_space<vmem>> -> memref<1x512xi32, #tpu.memory_space<vmem>>
    %dma_wait3A_136 = tpu.memref_squeeze %dma_wait3A_135 : memref<1x512xi32, #tpu.memory_space<vmem>> -> memref<512xi32, #tpu.memory_space<vmem>>
    %dma_wait3A_137 = arith.constant 0 : i32
    %dma_wait3A_138 = tpu.memref_slice %arg2[%dma_wait3A_137] : memref<3276800xi32, #tpu.memory_space<hbm>> -> memref<512xi32, #tpu.memory_space<hbm>>
    tpu.wait_dma2 semaphore(%arg8 : memref<!tpu.dma_semaphore, #tpu.memory_space<semaphore_mem>>) src(%dma_wait3A_138 : memref<512xi32, #tpu.memory_space<hbm>>) dst(%dma_wait3A_136 : memref<512xi32, #tpu.memory_space<vmem>>)
    return
  }
}

</mosaic_0001>

<sc_bundles>
// kernel: kernel.3.cloned.1.call-start
scs
__scs_entry_jumppad:
0x0: {  	(pc) =	sbr.rel $0x88, $3  }
0x1: {  	(tag) =	ssettag $0x0;
	lr =	simm.s32 $0x1  }
0x2: {  	[smem:$0x3F9F] =	sst lr;
	_ =	strace $0xD0000000  }
0x3: {  	_ = 	snop  }
0x4: {  	_ = 	snop  }
0x5: {  	_ = 	snop  }
0x6: {  	_ = 	snop  }
0x7: {  	_ = 	snop  }
__scs_overlays_trampoline_lowered:
0x8: {  	[smem:$0x3FAE] =	sst s0  }
0x9: {  	[smem:$0x3FAF] =	sst s1  }
0xa: {  	[smem:$0x3FB0] =	sst s2  }
0xb: {  	[smem:$0x3FB1] =	sst s3  }
0xc: {  	[smem:$0x3FB2] =	sst s4  }
0xd: {  	[smem:$0x3FB3] =	sst s5  }
0xe: {  	[smem:$0x3FB4] =	sst s6  }
0xf: {  	[smem:$0x3FB5] =	sst s7  }
0x10: {  	[smem:$0x3FB6] =	sst s8  }
0x11: {  	[smem:$0x3FB7] =	sst s9;
	s0 =	simm.s32 @!p0 $0x0  }
0x12: {  	s1 =	sld [smem:$0x3F9D];
	s0 =	simm.s32 @p0 $0x1  }
0x13: {  	[smem:$0x3FB8] =	sst s0;
	s0 =	simm.s32 @!p1 $0x0  }
0x14: {  	s2 =	sld [smem:$0x3F9C];
	s0 =	simm.s32 @p1 $0x1  }
0x15: {  	[smem:$0x3FB9] =	sst s0;
	s0 =	simm.s32 @!p2 $0x0  }
0x16: {  	s3 =	sld [smem:$0x3FDB];
	s0 =	simm.s32 @p2 $0x1  }
0x17: {  	s4 =	simm.s32 $0x1BF5;
	[smem:$0x3FBB] =	sst s0  }
0x18: {  	s0 =	sld [smem:$0x3F9E];
	_ =	swait.ge [sflag:s4], $0x0  }
0x19: {  	s7 =	sld [smem:$0x3F9F]  }
0x1a: {  	s8 =	sadd.s32 $0xFFFFE003, lr  }
0x1b: {  	s9 =	sadd.s32 $0xFFFFFEF7, lr;
	s5 =	simm.s32 $0xFFFFFFFF;
	p2 =	slt.u32 s8, $0xFFFFF086  }
0x1c: {  	p1 =	slt.u32 s9, $0xF7A;
	s5 =	simm.s32 @!p2 $0x0  }
0x1d: {  	s5 =	simm.s32 @p1 $0x1;
	p0 =	seq.s32 s7, s2  }
0x1e: {  	s7 =	smul.u32 @!p0 $0xF7A, s2;
	p2 =	seq.s32 @!p0 s5, $0x0  }
0x1f: {  	s9 =	smul.u32 $0xF7A, s1;
	s8 =	simm.s32 @!p0 $0x1BF5;
	p2 =	por !p2, p0  }
0x20: {  	[sflag:s8] =	ssyncset.s32 @!p0 $0xFFFFF086;
	s6 =	sadd.s32 @!p0 s3, s7;
	s7 =	simm.s32 @!p0 $0x108  }
0x21: {  	s3 =	sadd.s32 s3, s9;
	s6 =	sadd.s32 @!p0 $0x88, s6;
	s7 =	simm.s32 @p2 $0x1082  }
0x22: {  	[simem:s7], [sflag:s8] =	dma.local @!p0 [hbm:s6], $0xF7A  }
0x23: {  	s9 =	sor.u32 $0xD0000000, s2;
	s6 =	simm.s32 $0x108;
	_ =	swait.ge @!p0 [sflag:s8], $0x0  }
0x24: {  	s3 =	sadd.s32 $0x88, s3;
	s6 =	simm.s32 @!p1 $0x1082;
	[sflag:s4] =	ssyncset.s32 $0xFFFFF086  }
0x25: {  	[simem:s6], [sflag:s4] =	dma.local [hbm:s3], $0xF7A  }
0x26: {  	[smem:$0x3F9F] =	sst s1;
	(tag) =	ssettag s2;
	_ =	strace s9  }
0x27: {  	s1 =	sld [smem:$0x3FAF]  }
0x28: {  	s2 =	sld [smem:$0x3FB0]  }
0x29: {  	s4 =	sld [smem:$0x3FB2]  }
0x2a: {  	p0 =	seq.s32 s5, $0x0;
	s5 =	sld [smem:$0x3FB3]  }
0x2b: {  	s6 =	sld [smem:$0x3FB4]  }
0x2c: {  	s7 =	sld [smem:$0x3FB5]  }
0x2d: {  	s3 =	simm.s32 $0x108;
	s8 =	sld [smem:$0x3FB6]  }
0x2e: {  	s3 =	simm.s32 @!p0 $0x1082;
	s9 =	sld [smem:$0x3FB7]  }
0x2f: {  	lr =	sadd.s32 s0, s3;
	s0 =	sld [smem:$0x3FAE]  }
0x30: {  	s3 =	sld [smem:$0x3FB1]  }
0x31: {  	[smem:$0x3FBA] =	sst s10  }
0x32: {  	s10 =	sld [smem:$0x3FB8];
	_ =	sdelay $0x3  }
0x33: {  	p0 =	seq.s32 s10, $0x1;
	s10 =	sld [smem:$0x3FBA];
	_ =	sdelay $0x3  }
0x34: {  	[smem:$0x3FBA] =	sst s10  }
0x35: {  	s10 =	sld [smem:$0x3FB9];
	_ =	sdelay $0x3  }
0x36: {  	p1 =	seq.s32 s10, $0x1;
	s10 =	sld [smem:$0x3FBA];
	_ =	sdelay $0x3  }
0x37: {  	[smem:$0x3FBA] =	sst s10  }
0x38: {  	s10 =	sld [smem:$0x3FBB]  }
0x39: {  	_ = 	snop;
	(pc) =	sbr.ind lr, $3  }
0x3a: {  	_ = 	snop  }
0x3b: {  	_ = 	snop  }
0x3c: {  	p2 =	seq.s32 s10, $0x1;
	s10 =	sld [smem:$0x3FBA]  }
0x3d: {  	_ =	shalt  }
0x3e: {  	_ =	shalt  }
0x3f: {  	_ =	shalt  }
0x40: {  	_ =	shalt  }
0x41: {  	_ =	shalt  }
0x42: {  	_ =	shalt  }
0x43: {  	_ =	shalt  }
0x44: {  	_ =	shalt  }
0x45: {  	_ =	shalt  }
0x46: {  	_ =	shalt  }
0x47: {  	_ =	shalt  }
0x48: {  	_ =	shalt  }
0x49: {  	_ =	shalt  }
0x4a: {  	_ =	shalt  }
0x4b: {  	_ =	shalt  }
0x4c: {  	_ =	shalt  }
0x4d: {  	_ =	shalt  }
0x4e: {  	_ =	shalt  }
0x4f: {  	_ =	shalt  }
0x50: {  	_ =	shalt  }
0x51: {  	_ =	shalt  }
0x52: {  	_ =	shalt  }
0x53: {  	_ =	shalt  }
0x54: {  	_ =	shalt  }
0x55: {  	_ =	shalt  }
0x56: {  	_ =	shalt  }
0x57: {  	_ =	shalt  }
0x58: {  	_ =	shalt  }
0x59: {  	_ =	shalt  }
0x5a: {  	_ =	shalt  }
0x5b: {  	_ =	shalt  }
0x5c: {  	_ =	shalt  }
0x5d: {  	_ =	shalt  }
0x5e: {  	_ =	shalt  }
0x5f: {  	_ =	shalt  }
0x60: {  	_ =	shalt  }
0x61: {  	_ =	shalt  }
0x62: {  	_ =	shalt  }
0x63: {  	_ =	shalt  }
0x64: {  	_ =	shalt  }
0x65: {  	_ =	shalt  }
0x66: {  	_ =	shalt  }
0x67: {  	_ =	shalt  }
0x68: {  	_ =	shalt  }
0x69: {  	_ =	shalt  }
0x6a: {  	_ =	shalt  }
0x6b: {  	_ =	shalt  }
0x6c: {  	_ =	shalt  }
0x6d: {  	_ =	shalt  }
0x6e: {  	_ =	shalt  }
0x6f: {  	_ =	shalt  }
0x70: {  	_ =	shalt  }
0x71: {  	_ =	shalt  }
0x72: {  	_ =	shalt  }
0x73: {  	_ =	shalt  }
0x74: {  	_ =	shalt  }
0x75: {  	_ =	shalt  }
0x76: {  	_ =	shalt  }
0x77: {  	_ =	shalt  }
0x78: {  	_ =	shalt  }
0x79: {  	_ =	shalt  }
0x7a: {  	_ =	shalt  }
0x7b: {  	_ =	shalt  }
0x7c: {  	_ =	shalt  }
0x7d: {  	_ =	shalt  }
0x7e: {  	_ =	shalt  }
0x7f: {  	_ =	shalt  }
0x80: {  	_ =	shalt  }
0x81: {  	_ =	shalt  }
0x82: {  	_ =	shalt  }
0x83: {  	_ =	shalt  }
0x84: {  	_ =	shalt  }
0x85: {  	_ =	shalt  }
0x86: {  	_ =	shalt  }
0x87: {  	_ =	shalt  }
.Lfunc_end0:
.L_simem_size_0:
called_computation.1_lowered:
.L_overlay_start_0:
0x88: {  	s2 =	sld [smem:$0x3FD9]  }
0x89: {  	s3 =	sld [smem:$0x3FFE];
	_ =	sdelay $0x1  }
0x8a: {  	s1 =	srdreg.scid  }
0x8b: {  	s0 =	sand.u32 $0x1, s1  }
0x8c: {  	s16 =	sshll.u32 s0, $0xA;
	s2 =	sadd.s32 s3, s2  }
0x8d: {  	s2 =	sadd.s32 s2, s16  }
0x8e: {  	[smem:$0x3FC6] =	sst s2  }
0x8f: {  	_ = 	snop  }
0x90: {  	(tm) =	ssettm $0x1  }
0x91: {  	s17 =	sld [smem:$0x3FFB];
	_ =	sdelay $0x3  }
0x92: {  	_ =	strace s17  }
0x93: {  	s2 =	sld [smem:$0x3FFC];
	_ =	sdelay $0x3  }
0x94: {  	_ =	strace s2  }
0x95: {  	s2 =	sld [smem:$0x3FFD];
	_ =	sdelay $0x3  }
0x96: {  	_ =	strace s2  }
0x97: {  	_ =	strace $0x8FFFFFFF  }
0x98: {  	s18 =	sld [smem:$0x3FDB];
	_ =	sdelay $0x1  }
0x99: {  	s19 =	simm.s32 $_scs_section_size  }
0x9a: {  	s4 =	simm.s32 $_size__tile_overlayer_lowered;
	s5 =	simm.s32 $_tile_overlayer_lowered  }
0x9b: {  	s22 =	simm.s32 $0x1BFF;
	s21 =	sshll.u32 s5, $0x1;
	s2 =	sadd.s32 s19, s18  }
0x9c: {  	s6 =	simm.s32 $0x0;
	s20 =	sshll.u32 s4, $0x1;
	s4 =	sadd.s32 s21, s2  }
0x9d: {  	[timem:s6], [sflag:s22] =	dma.local [hbm:s4], s20  }
0x9e: {  	_ =	swait.ge [sflag:s22], s20  }
0x9f: {  	s3 =	ssub.s32 $0x0, s20;
	[sflag:s22] =	ssyncset.done $0x0  }
0xa0: {  	[sflag:s22] =	ssyncadd.s32 s3;
	_ =	sdelay $0x1  }
0xa1: {  	s23 =	simm.s32 $0x1B8B  }
0xa2: {  	_ =	swait.ge [sflag:s23], $0x1  }
0xa3: {  	[sflag:s23] =	ssyncset.done $0x0  }
0xa4: {  	s25 =	simm.s32 $0x1B8E;
	s24 =	sld [smem:$0x3FFE];
	[sflag:s23] =	ssyncadd.s32 $0xFFFFFFFF  }
0xa5: {  	s26 =	simm.s32 $execute0_lowered;
	[smem:$0x3FD2] =	sst s25  }
0xa6: {  	s4 =	sshll.u32 s26, $0x1;
	_ =	strace $0x80000046;
	[dreg:$0x1] =	wrdreg $0xFFFFFFFF  }
0xa7: {  	s28 =	simm.s32 $_size_execute0_lowered;
	s2 =	sadd.s32 s2, s4;
	[dreg:$0x0] =	wrdreg $0x0  }
0xa8: {  	s4 =	sshll.u32 s28, $0x1;
	[dreg:$0x2] =	wrdreg s2  }
0xa9: {  	[dreg:$0x3] =	wrdreg s4  }
0xaa: {  	[dreg:$0x4] =	wrdreg $0xC0  }
0xab: {  	_ =	task [dreg:s6], $0x5FFFF  }
0xac: {  	[dreg:$0x1] =	wrdreg $0xFFFFFFFF  }
0xad: {  	[dreg:$0x0] =	wrdreg $0x60  }
0xae: {  	[dreg:$0x2] =	wrdreg s24  }
0xaf: {  	[dreg:$0x3] =	wrdreg $0x9  }
0xb0: {  	_ =	task.clear_ibuf [dreg:s6], $0x4FFFF;
	_ =	strace $0x90000046  }
0xb1: {  	s29 =	simm.s32 $0x9;
	_ =	strace $0x80000048  }
0xb2: {  	_ =	swait.ge [sflag:s29], $0x1  }
0xb3: {  	[sflag:s29] =	ssyncadd.s32 $0xFFFFFFFF  }
0xb4: {  	_ =	strace $0x90000048  }
0xb5: {  	_ =	sfence  }
0xb6: {  	s30 =	sld [smem:$0x0];
	_ =	sdelay $0x2  }
0xb7: {  	s31 =	sshll.u32 s1, $0xD;
	s1 =	sshrl.u32 s1, $0x2  }
0xb8: {  	s3 =	sand.u32 $0x4000, s31;
	s1 =	sadd.s32 s1, s30  }
0xb9: {  	s0 =	sor.u32 s3, s0;
	s1 =	sshll.u32 s1, $0x11  }
0xba: {  	s0 =	sor.u32 s1, s0  }
0xbb: {  	s0 =	sadd.s32 $0x8F2B, s0  }
0xbc: {  	[sflag:s0] =	ssyncadd.remote.s32 $0x1  }
0xbd: {  	_ =	sfence.sel $0xFFFF  }
0xbe: {  	[dreg:$0x0] =	wrdreg $0xFFFFFFFF;
	(pc) =	sbr.abs _section_cstart, $3  }
0xbf: {  	[dreg:$0x1] =	wrdreg $0xFFFFFFFF  }
0xc0: {  	_ =	task.clear_ibuf [dreg:s6], $0x2FFFF;
	_ =	strace $0x9FFFFFFF  }
0xc1: {  	(tm) =	ssettm $0x7FFFFFFF  }
tec
execute0_lowered:
.L_overlay_start_1:
0x0: {  	(tag) =	ssettag $0x1  }
0x1: {  	s0 =	rddreg [dreg:$0x0];
	s1 =	srdreg.scid  }
0x2: {  	s8 =	stileid.u32;
	s2 =	simm.s32 $0x0;
	s11 =	simm.s32 $0x1  }
0x3: {  	s12 =	simm.s32 $0x80;
	s13 =	simm.s32 $0x400;
	s25 =	simm.s32 $0x280  }
0x4: {  	s26 =	simm.s32 $0xA400;
	s28 =	simm.s32 $0x300;
	s29 =	simm.s32 $0xC400  }
0x5: {  	s30 =	simm.s32 $0x380;
	s31 =	simm.s32 $0xE400;
	[smem:$0x7FF] =	sst s2  }
0x6: {  	s19 =	simm.s32 $0x2;
	_ =	strace $0x80000047;
	[dreg:$0x4] =	wrdreg s25  }
0x7: {  	s20 =	simm.s32 $0x8400;
	s21 =	simm.s32 $0x3;
	[dreg:$0x5] =	wrdreg s26  }
0x8: {  	s22 =	simm.s32 $0x40;
	s1 =	sand.u32 $0x1, s1;
	[dreg:$0x6] =	wrdreg s28  }
0x9: {  	s3 =	sshll.u32 s8, $0x1;
	s4 =	sadd.s32 $0x64800, s0;
	[dreg:$0x7] =	wrdreg s29  }
0xa: {  	s8 =	smul.u32 $0x1900000, s8;
	s3 =	sor.u32 s1, s3;
	[dreg:$0x8] =	wrdreg s30  }
0xb: {  	s6 =	ssub.s32 $0x2, s1;
	s1 =	smul.u32 $0xC80000, s1;
	[dreg:$0x9] =	wrdreg s31  }
0xc: {  	s25 =	simm.s32 $0x6;
	s26 =	simm.s32 $0x0;
	s7 =	smul.u32 $0x19000, s3  }
0xd: {  	s3 =	sadd.s32 $0x800, s0;
	s0 =	sadd.s32 $0x805C00, s0;
	s9 =	sshrl.u32 s6, $0x1  }
0xe: {  	s9 =	ssub.s32 s6, s9;
	s1 =	sadd.s32 s1, s8;
	s5 =	sshrl.u32 s7, $0x3  }
0xf: {  	s10 =	sor.u32 $0x400, s7;
	s7 =	sor.u32 $0x600, s7;
	s8 =	sshrl.u32 s1, $0x3  }
0x10: {  	s23 =	sor.u32 $0x10000, s1;
	s5 =	sadd.s32 s3, s5;
	[dreg:$0x2] =	wrdreg s10  }
0x11: {  	[dreg:$0x3] =	wrdreg s7;
	s7 =	smax.u32 s9, $0x1;
	s1 =	sadd.s32 s8, s0  }
0x12: {  	s24 =	sshrl.u32 s23, $0x3;
	s10 =	simm.s32 $0x200;
	s23 =	simm.s32 $0x4  }
0x13: {  	s6 =	sadd.s32 $0x40, s5;
	s9 =	sadd.s32 s24, s0;
	s24 =	simm.s32 $0x5  }
.LBB2_1:
0x14: {  	[tilespmem:s2], [sflag:$0x1] =	stream.linear.gather [hbm4b:s5+s2], $0x200, $0x38;
	[tilespmem:$0x10400] =	vst v63  }
0x15: {  	_ = 	snop  }
0x16: {  	[tilespmem:s10], [sflag:$0x2] =	stream.linear.gather [hbm4b:s6+s2], $0x200, $0x38;
	[tilespmem:$0x10400] =	vst v63  }
0x17: {  	_ =	swait.ge [sflag:s11], $0x200  }
0x18: {  	[sflag:s11] =	ssyncset.done $0x0  }
0x19: {  	[sflag:s11] =	ssyncadd.s32 $0xFFFFFE00  }
0x1a: {  	[tilespmem:s13], [sflag:$0x3] =	stream.indirect.gather [hbm4b:s4+s12], $0x40, s2, s12, $0xb8;
	[tilespmem:$0x10400] =	vst v63  }
0x1b: {  	s0 =	simm.s32 $0x2400  }
0x1c: {  	[tilespmem:s0], [sflag:$0x3] =	stream.indirect.gather [hbm4b:s4+s12], $0x40, s12, s12, $0xb8;
	[tilespmem:$0x10400] =	vst v63  }
0x1d: {  	s16 =	simm.s32 $0x100;
	s8 =	simm.s32 $0x4400  }
0x1e: {  	[tilespmem:s8], [sflag:$0x3] =	stream.indirect.gather [hbm4b:s4+s12], $0x40, s16, s12, $0xb8;
	[tilespmem:$0x10400] =	vst v63  }
0x1f: {  	s17 =	simm.s32 $0x180;
	s18 =	simm.s32 $0x6400  }
0x20: {  	[tilespmem:s18], [sflag:$0x3] =	stream.indirect.gather [hbm4b:s4+s12], $0x40, s17, s12, $0xb8;
	[tilespmem:$0x10400] =	vst v63  }
0x21: {  	_ =	swait.ge [sflag:s19], $0x200  }
0x22: {  	p0 =	por $0x1, $0x1;
	[sflag:s19] =	ssyncset.done $0x0  }
0x23: {  	s0 =	simm.s32 @!p0 $0x6;
	[sflag:s19] =	ssyncadd.s32 $0xFFFFFE00  }
0x24: {  	_ =	swait.ge @!p0 [sflag:s0], $0x8000  }
0x25: {  	s14 =	rddreg [dreg:$0x9]  }
0x26: {  	s28 =	rddreg [dreg:$0x6];
	[sflag:s0] =	ssyncset.done @!p0 $0x0  }
0x27: {  	s29 =	rddreg [dreg:$0x4];
	[sflag:s0] =	ssyncadd.s32 @!p0 $0xFFFF8000  }
0x28: {  	[tilespmem:s20], [sflag:$0x4] =	stream.indirect.gather [hbm4b:s4+s12], $0x40, s10, s12, $0xb8;
	[tilespmem:$0x10400] =	vst v63  }
0x29: {  	s15 =	rddreg [dreg:$0x5]  }
0x2a: {  	[tilespmem:s15], [sflag:$0x4] =	stream.indirect.gather [hbm4b:s4+s12], $0x40, s29, s12, $0xb8;
	[tilespmem:$0x10400] =	vst v63  }
0x2b: {  	s30 =	rddreg [dreg:$0x7]  }
0x2c: {  	[tilespmem:s30], [sflag:$0x4] =	stream.indirect.gather [hbm4b:s4+s12], $0x40, s28, s12, $0xb8;
	[tilespmem:$0x10400] =	vst v63  }
0x2d: {  	s16 =	rddreg [dreg:$0x8]  }
0x2e: {  	[tilespmem:s14], [sflag:$0x4] =	stream.indirect.gather [hbm4b:s4+s12], $0x40, s16, s12, $0xb8;
	[tilespmem:$0x10400] =	vst v63  }
0x2f: {  	_ =	swait.ge [sflag:s21], $0x2000  }
0x30: {  	[sflag:s21] =	ssyncset.done $0x0  }
0x31: {  	[sflag:s21] =	ssyncadd.s32 $0xFFFFE000  }
0x32: {  	_ =	swait.ge [sflag:s21], $0x2000  }
0x33: {  	[sflag:s21] =	ssyncset.done $0x0  }
0x34: {  	[sflag:s21] =	ssyncadd.s32 $0xFFFFE000  }
0x35: {  	_ =	swait.ge [sflag:s21], $0x2000  }
0x36: {  	[sflag:s21] =	ssyncset.done $0x0  }
0x37: {  	[sflag:s21] =	ssyncadd.s32 $0xFFFFE000  }
0x38: {  	s18 =	smin.u32 s2, $0xC5;
	_ =	swait.ge [sflag:s21], $0x2000  }
0x39: {  	s8 =	sshll.u32 s18, $0x9;
	s17 =	rddreg [dreg:$0x2]  }
0x3a: {  	p1 =	por $0x0, $0x0;
	s31 =	sadd.s32 $0x4000, s9;
	s0 =	sadd.s32 s8, s17  }
0x3b: {  	s29 =	simm.s32 $0x0;
	[sflag:s21] =	ssyncset.done $0x0;
	s0 =	sshrl.u32 s0, $0x3  }
0x3c: {  	s30 =	simm.s32 $0x2;
	[sflag:s21] =	ssyncadd.s32 $0xFFFFE000;
	s0 =	sadd.s32 s3, s0  }
0x3d: {  	[tilespmem:s2], [sflag:$0x1] =	stream.linear.gather [hbm4b:s0+s2], $0x200, $0x38;
	[tilespmem:$0x10400] =	vst v63  }
0x3e: {  	s28 =	smov.u32 s9;
	s8 =	smov.u32 s1;
	s0 =	smov.u32 s1  }
.LBB2_2:
0x3f: {  	s14 =	simm.s32 @!p1 $0x1  }
0x40: {  	[hbm4b:s0+s22] =	stream.strided.scatter [tilespmem:s13], [sflag:$0x5], $0x8000, s12, s22, $0x38;
	[tilespmem:$0x10400] =	vst v63  }
0x41: {  	_ =	swait.ge @!p1 [sflag:s14], $0x200  }
0x42: {  	[sflag:s14] =	ssyncset.done @!p1 $0x0  }
0x43: {  	[sflag:s14] =	ssyncadd.s32 @!p1 $0xFFFFFE00;
	s14 =	simm.s32 @!p1 $0x5  }
0x44: {  	_ =	swait.ge @!p1 [sflag:s14], $0x8000  }
0x45: {  	s16 =	simm.s32 @!p1 $0x400;
	[sflag:s14] =	ssyncset.done @!p1 $0x0  }
0x46: {  	s17 =	simm.s32 @!p1 $0x0;
	[sflag:s14] =	ssyncadd.s32 @!p1 $0xFFFF8000;
	s14 =	simm.s32 @!p1 $0x80  }
0x47: {  	[tilespmem:s16], [sflag:$0x3] =	stream.indirect.gather @!p1 [hbm4b:s4+s14], $0x40, s17, s14, $0xb8;
	[tilespmem:$0x10400] =	vst v63  }
0x48: {  	s16 =	simm.s32 @!p1 $0x2400  }
0x49: {  	[tilespmem:s16], [sflag:$0x3] =	stream.indirect.gather @!p1 [hbm4b:s4+s14], $0x40, s14, s14, $0xb8;
	[tilespmem:$0x10400] =	vst v63  }
0x4a: {  	s17 =	simm.s32 @!p1 $0x4400;
	s16 =	simm.s32 @!p1 $0x100  }
0x4b: {  	[tilespmem:s17], [sflag:$0x3] =	stream.indirect.gather @!p1 [hbm4b:s4+s14], $0x40, s16, s14, $0xb8;
	[tilespmem:$0x10400] =	vst v63  }
0x4c: {  	s16 =	simm.s32 @!p1 $0x180;
	s17 =	simm.s32 @!p1 $0x6400  }
0x4d: {  	[tilespmem:s17], [sflag:$0x3] =	stream.indirect.gather @!p1 [hbm4b:s4+s14], $0x40, s16, s14, $0xb8;
	[tilespmem:$0x10400] =	vst v63  }
0x4e: {  	_ =	swait.ge [sflag:s23], $0x2000  }
0x4f: {  	[sflag:s23] =	ssyncset.done $0x0  }
0x50: {  	[sflag:s23] =	ssyncadd.s32 $0xFFFFE000  }
0x51: {  	_ =	swait.ge [sflag:s23], $0x2000  }
0x52: {  	[sflag:s23] =	ssyncset.done $0x0  }
0x53: {  	[sflag:s23] =	ssyncadd.s32 $0xFFFFE000  }
0x54: {  	_ =	swait.ge [sflag:s23], $0x2000  }
0x55: {  	[sflag:s23] =	ssyncset.done $0x0  }
0x56: {  	[sflag:s23] =	ssyncadd.s32 $0xFFFFE000  }
0x57: {  	s18 =	smin.u32 s29, $0xC4;
	_ =	swait.ge [sflag:s23], $0x2000  }
0x58: {  	s16 =	sshll.u32 s18, $0x9;
	s17 =	rddreg [dreg:$0x3]  }
0x59: {  	s14 =	sadd.s32 s16, s17  }
0x5a: {  	[sflag:s23] =	ssyncset.done $0x0;
	s14 =	sshrl.u32 s14, $0x3  }
0x5b: {  	[sflag:s23] =	ssyncadd.s32 $0xFFFFE000;
	s14 =	sadd.s32 s3, s14  }
0x5c: {  	[tilespmem:s10], [sflag:$0x2] =	stream.linear.gather [hbm4b:s14+s2], $0x200, $0x38;
	[tilespmem:$0x10400] =	vst v63  }
0x5d: {  	s15 =	smov.u32 s30  }
0x5e: {  	[hbm4b:s28+s22] =	stream.strided.scatter [tilespmem:s20], [sflag:$0x6], $0x8000, s12, s22, $0x38;
	[tilespmem:$0x10400] =	vst v63  }
0x5f: {  	s29 =	smov.u32 s15;
	_ =	swait.ge [sflag:s19], $0x200  }
0x60: {  	p1 =	seq.s32 s29, $0x0;
	[sflag:s19] =	ssyncset.done $0x0  }
0x61: {  	s14 =	simm.s32 @!p1 $0x6;
	[sflag:s19] =	ssyncadd.s32 $0xFFFFFE00  }
0x62: {  	_ =	swait.ge @!p1 [sflag:s14], $0x8000  }
0x63: {  	s15 =	rddreg [dreg:$0x9]  }
0x64: {  	[sflag:s14] =	ssyncset.done @!p1 $0x0;
	s16 =	rddreg [dreg:$0x6]  }
0x65: {  	s17 =	rddreg [dreg:$0x5];
	[sflag:s14] =	ssyncadd.s32 @!p1 $0xFFFF8000  }
0x66: {  	[tilespmem:s20], [sflag:$0x4] =	stream.indirect.gather [hbm4b:s4+s12], $0x40, s10, s12, $0xb8;
	[tilespmem:$0x10400] =	vst v63  }
0x67: {  	s14 =	rddreg [dreg:$0x4]  }
0x68: {  	[tilespmem:s17], [sflag:$0x4] =	stream.indirect.gather [hbm4b:s4+s12], $0x40, s14, s12, $0xb8;
	[tilespmem:$0x10400] =	vst v63  }
0x69: {  	s18 =	rddreg [dreg:$0x7]  }
0x6a: {  	[tilespmem:s18], [sflag:$0x4] =	stream.indirect.gather [hbm4b:s4+s12], $0x40, s16, s12, $0xb8;
	[tilespmem:$0x10400] =	vst v63  }
0x6b: {  	s17 =	rddreg [dreg:$0x8]  }
0x6c: {  	[tilespmem:s15], [sflag:$0x4] =	stream.indirect.gather [hbm4b:s4+s12], $0x40, s17, s12, $0xb8;
	[tilespmem:$0x10400] =	vst v63  }
0x6d: {  	_ =	swait.ge [sflag:s21], $0x2000  }
0x6e: {  	[sflag:s21] =	ssyncset.done $0x0  }
0x6f: {  	[sflag:s21] =	ssyncadd.s32 $0xFFFFE000  }
0x70: {  	_ =	swait.ge [sflag:s21], $0x2000  }
0x71: {  	[sflag:s21] =	ssyncset.done $0x0  }
0x72: {  	[sflag:s21] =	ssyncadd.s32 $0xFFFFE000  }
0x73: {  	_ =	swait.ge [sflag:s21], $0x2000  }
0x74: {  	s30 =	sadd.s32 $0x2, s30;
	[sflag:s21] =	ssyncset.done $0x0  }
0x75: {  	s8 =	sadd.s32 $0x4000, s8;
	p0 =	sne.s32 s30, $0xC8;
	[sflag:s21] =	ssyncadd.s32 $0xFFFFE000  }
0x76: {  	s0 =	smov.u32 s8;
	s18 =	smin.u32 s29, $0xC5;
	_ =	swait.ge [sflag:s21], $0x2000  }
.Ltmp0:
0x77: {  	s15 =	sshll.u32 s18, $0x9;
	s17 =	rddreg [dreg:$0x2];
	(pc) =	sbr.rel @p0 .LBB2_2-.Ltmp0, $4  }
0x78: {  	s28 =	smov.u32 s31;
	s31 =	sadd.s32 $0x4000, s31;
	s14 =	sadd.s32 s15, s17  }
0x79: {  	s16 =	sadd.s32 $0x1, s29;
	[sflag:s21] =	ssyncset.done $0x0;
	s14 =	sshrl.u32 s14, $0x3  }
0x7a: {  	p1 =	sgt.u32 s16, $0xC6;
	[sflag:s21] =	ssyncadd.s32 $0xFFFFE000;
	s14 =	sadd.s32 s3, s14  }
0x7b: {  	[tilespmem:s2], [sflag:$0x1] =	stream.linear.gather [hbm4b:s14+s2], $0x200, $0x38;
	[tilespmem:$0x10400] =	vst v63  }
0x7c: {  	s8 =	simm.s32 @!p1 $0x1  }
0x7d: {  	[hbm4b:s0+s22] =	stream.strided.scatter [tilespmem:s13], [sflag:$0x5], $0x8000, s12, s22, $0x38;
	[tilespmem:$0x10400] =	vst v63  }
0x7e: {  	_ =	swait.ge @!p1 [sflag:s8], $0x200  }
0x7f: {  	[sflag:s8] =	ssyncset.done @!p1 $0x0  }
0x80: {  	s0 =	simm.s32 @!p1 $0x5;
	[sflag:s8] =	ssyncadd.s32 @!p1 $0xFFFFFE00  }
0x81: {  	_ =	swait.ge @!p1 [sflag:s0], $0x8000  }
0x82: {  	s14 =	simm.s32 @!p1 $0x0;
	[sflag:s0] =	ssyncset.done @!p1 $0x0  }
0x83: {  	s8 =	simm.s32 @!p1 $0x400;
	[sflag:s0] =	ssyncadd.s32 @!p1 $0xFFFF8000;
	s0 =	simm.s32 @!p1 $0x80  }
0x84: {  	[tilespmem:s8], [sflag:$0x3] =	stream.indirect.gather @!p1 [hbm4b:s4+s0], $0x40, s14, s0, $0xb8;
	[tilespmem:$0x10400] =	vst v63  }
0x85: {  	s8 =	simm.s32 @!p1 $0x2400  }
0x86: {  	[tilespmem:s8], [sflag:$0x3] =	stream.indirect.gather @!p1 [hbm4b:s4+s0], $0x40, s0, s0, $0xb8;
	[tilespmem:$0x10400] =	vst v63  }
0x87: {  	s14 =	simm.s32 @!p1 $0x4400;
	s8 =	simm.s32 @!p1 $0x100  }
0x88: {  	[tilespmem:s14], [sflag:$0x3] =	stream.indirect.gather @!p1 [hbm4b:s4+s0], $0x40, s8, s0, $0xb8;
	[tilespmem:$0x10400] =	vst v63  }
0x89: {  	s8 =	simm.s32 @!p1 $0x180;
	s14 =	simm.s32 @!p1 $0x6400  }
0x8a: {  	[tilespmem:s14], [sflag:$0x3] =	stream.indirect.gather @!p1 [hbm4b:s4+s0], $0x40, s8, s0, $0xb8;
	[tilespmem:$0x10400] =	vst v63  }
0x8b: {  	_ =	swait.ge [sflag:s23], $0x2000  }
0x8c: {  	[sflag:s23] =	ssyncset.done $0x0  }
0x8d: {  	[sflag:s23] =	ssyncadd.s32 $0xFFFFE000  }
0x8e: {  	_ =	swait.ge [sflag:s23], $0x2000  }
0x8f: {  	[sflag:s23] =	ssyncset.done $0x0  }
0x90: {  	[sflag:s23] =	ssyncadd.s32 $0xFFFFE000  }
0x91: {  	_ =	swait.ge [sflag:s23], $0x2000  }
0x92: {  	[sflag:s23] =	ssyncset.done $0x0  }
0x93: {  	[sflag:s23] =	ssyncadd.s32 $0xFFFFE000  }
0x94: {  	s31 =	smin.u32 s29, $0xC4;
	_ =	swait.ge [sflag:s23], $0x2000  }
0x95: {  	s8 =	sshll.u32 s31, $0x9;
	s30 =	rddreg [dreg:$0x3]  }
0x96: {  	s0 =	sadd.s32 s8, s30  }
0x97: {  	[sflag:s23] =	ssyncset.done $0x0;
	s0 =	sshrl.u32 s0, $0x3  }
0x98: {  	[sflag:s23] =	ssyncadd.s32 $0xFFFFE000;
	s0 =	sadd.s32 s3, s0  }
0x99: {  	[tilespmem:s10], [sflag:$0x2] =	stream.linear.gather [hbm4b:s0+s2], $0x200, $0x38;
	[tilespmem:$0x10400] =	vst v63  }
0x9a: {  	_ = 	snop  }
0x9b: {  	[hbm4b:s28+s22] =	stream.strided.scatter [tilespmem:s20], [sflag:$0x6], $0x8000, s12, s22, $0x38;
	[tilespmem:$0x10400] =	vst v63  }
0x9c: {  	_ =	swait.ge [sflag:s24], $0x8000  }
0x9d: {  	[sflag:s24] =	ssyncset.done $0x0  }
0x9e: {  	[sflag:s24] =	ssyncadd.s32 $0xFFFF8000  }
0x9f: {  	_ =	swait.ge [sflag:s11], $0x200  }
0xa0: {  	[sflag:s11] =	ssyncset.done $0x0  }
0xa1: {  	s26 =	sadd.s32 $0x1, s26;
	[sflag:s11] =	ssyncadd.s32 $0xFFFFFE00  }
0xa2: {  	p0 =	sne.s32 s26, s7;
	_ =	swait.ge [sflag:s25], $0x8000  }
.Ltmp1:
0xa3: {  	[sflag:s25] =	ssyncset.done $0x0;
	(pc) =	sbr.rel @p0 .LBB2_1-.Ltmp1, $4  }
0xa4: {  	[sflag:s25] =	ssyncadd.s32 $0xFFFF8000  }
0xa5: {  	_ =	swait.ge [sflag:s19], $0x200  }
0xa6: {  	[sflag:s19] =	ssyncset.done $0x0  }
0xa7: {  	[sflag:s19] =	ssyncadd.s32 $0xFFFFFE00  }
0xa8: {  	_ =	sfence.sel $0x180000  }
0xa9: {  	[bflag:$0x0] =	sbarrier.arrive $0xFFFF  }
0xaa: {  	_ =	strace $0x90000047  }
0xab: {  	s0 =	stileid.u32;
	[bflag:$0x2] =	sbarrier.arrive $0xFFFF  }
0xac: {  	p0 =	sne.s32 s0, $0x0;
	s0 =	rddreg [dreg:$0x1]  }
0xad: {  	s0 =	sadd.s32 @!p0 $0x100000, s0  }
0xae: {  	[sflag:s0] =	ssyncadd.tile.s32 @!p0 $0x1;
	_ =	shalt  }
.Lfunc_end2:
_tile_overlayer_lowered:
.L_overlay_start_2:
0xaf: {  	(tag) =	ssettag $0x2  }
0xb0: {  	s0 =	rddreg [dreg:$0x0];
	s2 =	stileid.u32  }
0xb1: {  	s1 =	rddreg [dreg:$0x1];
	p0 =	sne.s32 s2, $0x0  }
0xb2: {  	s3 =	rddreg [dreg:$0x2];
	[bflag:$0x3] =	sbarrier.arrive $0xFFFF;
	s2 =	simm.s32 @!p0 $0x1C07  }
0xb3: {  	[timem:s3], [sflag:s2] =	dma.local @!p0 [hbm:s0], s1  }
0xb4: {  	s0 =	simm.s32 @!p0 $0x7  }
0xb5: {  	_ =	swait.ge @!p0 [sflag:s0], s1  }
0xb6: {  	s1 =	ssub.s32 @!p0 $0x0, s1;
	[sflag:s0] =	ssyncset.done @!p0 $0x0  }
0xb7: {  	[sflag:s0] =	ssyncadd.s32 @!p0 s1  }
0xb8: {  	[bflag:$0x3] =	sbarrier.arrive $0xFFFF  }
0xb9: {  	_ =	shalt  }

// kernel: sparse-core-data-format-call.cloned.1.call-start
scs
called_computation_lowered:
.L_overlay_start_0:
0x0: {  	s2 =	sld [smem:$0x3FD9]  }
0x1: {  	s3 =	sld [smem:$0x3FFE];
	_ =	sdelay $0x1  }
0x2: {  	s1 =	srdreg.scid  }
0x3: {  	s0 =	sand.u32 $0x1, s1  }
0x4: {  	s18 =	sshll.u32 s0, $0xA;
	s2 =	sadd.s32 s3, s2  }
0x5: {  	s2 =	sadd.s32 s2, s18  }
0x6: {  	[smem:$0x3FC6] =	sst s2  }
0x7: {  	_ = 	snop  }
0x8: {  	s2 =	sld [smem:$0x3FD0];
	(tm) =	ssettm $0x1  }
0x9: {  	s19 =	sld [smem:$0x3FFB];
	_ =	sdelay $0x3  }
0xa: {  	_ =	strace s19  }
0xb: {  	s3 =	sld [smem:$0x3FFC];
	_ =	sdelay $0x3  }
0xc: {  	_ =	strace s3  }
0xd: {  	s3 =	sld [smem:$0x3FFD];
	_ =	sdelay $0x3  }
0xe: {  	_ =	strace s3  }
0xf: {  	_ =	strace $0x8FFFFFFF  }
0x10: {  	s20 =	sld [smem:$0x3FDB];
	_ =	sdelay $0x1  }
0x11: {  	s4 =	simm.s32 $_scs_section_size  }
0x12: {  	s5 =	simm.s32 $_size__tile_overlayer_lowered;
	s6 =	simm.s32 $_tile_overlayer_lowered  }
0x13: {  	s23 =	simm.s32 $0x1BFF;
	s22 =	sshll.u32 s6, $0x1;
	s3 =	sadd.s32 s4, s20  }
0x14: {  	s7 =	simm.s32 $0x0;
	s21 =	sshll.u32 s5, $0x1;
	s5 =	sadd.s32 s22, s3  }
0x15: {  	[timem:s7], [sflag:s23] =	dma.local [hbm:s5], s21  }
0x16: {  	_ =	swait.ge [sflag:s23], s21  }
0x17: {  	s4 =	ssub.s32 $0x0, s21;
	[sflag:s23] =	ssyncset.done $0x0  }
0x18: {  	[sflag:s23] =	ssyncadd.s32 s4;
	_ =	sdelay $0x1  }
0x19: {  	s24 =	simm.s32 $0x1B8B  }
0x1a: {  	_ =	swait.ge [sflag:s24], $0x1  }
0x1b: {  	[sflag:s24] =	ssyncset.done $0x0  }
0x1c: {  	s26 =	simm.s32 $0x1B8E;
	s25 =	sld [smem:$0x3FFE];
	[sflag:s24] =	ssyncadd.s32 $0xFFFFFFFF  }
0x1d: {  	s27 =	simm.s32 $execute0_lowered;
	[smem:$0x3FD2] =	sst s26  }
0x1e: {  	s5 =	sshll.u32 s27, $0x1;
	_ =	strace $0x80000049;
	[dreg:$0x1] =	wrdreg $0xFFFFFFFF  }
0x1f: {  	s28 =	simm.s32 $_size_execute0_lowered;
	s3 =	sadd.s32 s3, s5;
	[dreg:$0x0] =	wrdreg $0x0  }
0x20: {  	s5 =	sshll.u32 s28, $0x1;
	[dreg:$0x2] =	wrdreg s3  }
0x21: {  	[dreg:$0x3] =	wrdreg s5  }
0x22: {  	[dreg:$0x4] =	wrdreg $0xC0  }
0x23: {  	_ =	task [dreg:s7], $0x5FFFF  }
0x24: {  	[dreg:$0x1] =	wrdreg $0xFFFFFFFF  }
0x25: {  	[dreg:$0x0] =	wrdreg $0x60  }
0x26: {  	[dreg:$0x2] =	wrdreg s25  }
0x27: {  	[dreg:$0x3] =	wrdreg s2  }
0x28: {  	[dreg:$0x4] =	wrdreg $0x9  }
0x29: {  	_ =	task.clear_ibuf [dreg:s7], $0x5FFFF;
	_ =	strace $0x90000049  }
0x2a: {  	s29 =	simm.s32 $0x9;
	_ =	strace $0x8000004B  }
0x2b: {  	_ =	swait.ge [sflag:s29], $0x1  }
0x2c: {  	[sflag:s29] =	ssyncadd.s32 $0xFFFFFFFF  }
0x2d: {  	_ =	strace $0x9000004B  }
0x2e: {  	_ =	sfence  }
0x2f: {  	s30 =	sld [smem:$0x0];
	_ =	sdelay $0x2  }
0x30: {  	s31 =	sshll.u32 s1, $0xD;
	s1 =	sshrl.u32 s1, $0x2  }
0x31: {  	s3 =	sand.u32 $0x4000, s31;
	s1 =	sadd.s32 s1, s30  }
0x32: {  	s0 =	sor.u32 s3, s0;
	s1 =	sshll.u32 s1, $0x11  }
0x33: {  	s0 =	sor.u32 s1, s0  }
0x34: {  	s0 =	sadd.s32 $0x8F2B, s0  }
0x35: {  	[sflag:s0] =	ssyncadd.remote.s32 $0x1  }
0x36: {  	_ =	sfence.sel $0xFFFF  }
0x37: {  	[dreg:$0x0] =	wrdreg $0xFFFFFFFF;
	(pc) =	sbr.abs _section_cstart, $3  }
0x38: {  	[dreg:$0x1] =	wrdreg $0xFFFFFFFF  }
0x39: {  	_ =	task.clear_ibuf [dreg:s7], $0x2FFFF;
	_ =	strace $0x9FFFFFFF  }
0x3a: {  	(tm) =	ssettm $0x7FFFFFFF  }
0x3b: {  	_ =	shalt  }
tec
execute0_lowered:
.L_overlay_start_1:
0x0: {  	(tag) =	ssettag $0x1  }
0x1: {  	s0 =	srdreg.scid  }
0x2: {  	s1 =	sshll.u32 s0, $0x4  }
0x3: {  	s0 =	stileid.u32;
	s1 =	sand.u32 $0x10, s1  }
0x4: {  	s1 =	sor.u32 s0, s1  }
0x5: {  	s6 =	rddreg [dreg:$0x0];
	s4 =	simm.s32 $0x1;
	s2 =	sshll.u32 s1, $0x7  }
0x6: {  	s7 =	simm.s32 $0x2;
	s12 =	simm.s32 $0x0;
	s1 =	ssub.s32 $0x4000, s2  }
0x7: {  	s8 =	simm.s32 $0x20000;
	s13 =	simm.s32 $0x0;
	s3 =	sand.u32 $0xF80, s1  }
0x8: {  	s9 =	simm.s32 $0x0;
	s5 =	sshrl.u32 s1, $0xC;
	p0 =	sne.s32 s3, $0x0  }
.Ltmp0:
0x9: {  	s1 =	rddreg [dreg:$0x2];
	s4 =	simm.s32 @!p0 $0x0;
	(pc) =	sbr.rel .LBB1_1-.Ltmp0, $4  }
0xa: {  	s11 =	simm.s32 $0x0;
	s3 =	rddreg [dreg:$0x1];
	s5 =	sadd.s32 s4, s5  }
0xb: {  	_ =	strace $0x8000004A;
	s4 =	simm.s32 $0x1;
	s5 =	smul.u32 $0xC8, s5  }
0xc: {  	s6 =	sadd.s32 $0x805C00, s6;
	s10 =	smov.u32 s2;
	[sflag:s4] =	ssyncpa.u1 $0x0  }
0xd: {  	p0 =	por $0x0, $0x0;
	[sflag:s7] =	ssyncpa.u1 $0x0;
	s7 =	sor.u32 $0x1, s5  }
.LBB1_4:
0xe: {  	s16 =	sshll.u32 s13, $0x3;
	s17 =	sand.u32 $0x78, s13  }
0xf: {  	s30 =	sand.u32 $0x1F800, s13;
	s12 =	sshll.u32 s12, $0x11;
	s16 =	sand.u32 $0x3C00, s16  }
0x10: {  	[tilespmem:s15+$0x810 ss:$0x81] =	vst.msk $0xffff, v2;
	s31 =	sand.u32 $0x7, s13;
	s16 =	sor.u32 s17, s16;
	s17 =	sadd.s32 s3, s30  }
0x11: {  	[tilespmem:s15+$0x1020 ss:$0x81] =	vst.msk $0xffff, v0;
	s13 =	sshll.u32 s31, $0x12;
	s12 =	sadd.s32 s12, s17;
	s16 =	sshrl.u32 s16, $0x3  }
0x12: {  	[tilespmem:s15+$0x0 ss:$0x81] =	vst.msk $0xffff, v1;
	s13 =	sor.u32 $0x400, s13;
	s12 =	sadd.s32 s16, s12  }
0x13: {  	[hbm4b:s12+s13] =	stream.strided.scatter [tilespmem:s14], [sflag:$0x2], $0x2000, s8, s13, $0x20;
	[tilespmem:$0x8080] =	vst v63  }
.LBB1_5:
0x14: {  	s14 =	sadd.s32 $0x1, s9  }
0x15: {  	s12 =	sadd.s32 $0x1000, s10;
	s16 =	smov.u32 s10;
	p2 =	sgt.s32 s14, $0xC7  }
0x16: {  	s16 =	smov.u32 @p2 s12  }
0x17: {  	s14 =	simm.s32 @p2 $0x0;
	p2 =	sgt.s32 s16, $0x3FFF  }
0x18: {  	s16 =	smov.u32 @p2 s2;
	p2 =	sne.s32 s11, s7  }
.Ltmp1:
0x19: {  	p1 =	slt.u32 s11, $0x2;
	(pc) =	sbr.rel @!p2 .LBB1_6-.Ltmp1, $4  }
0x1a: {  	s15 =	simm.s32 @!p1 $0x2  }
0x1b: {  	s13 =	smov.u32 s10;
	p0 =	por !p0, !p0;
	_ =	swait.ge @!p1 [sflag:s15], $0x2000  }
0x1c: {  	s12 =	smov.u32 s9;
	[sflag:s15] =	ssyncset.done @!p1 $0x0;
	s9 =	smov.u32 s14  }
0x1d: {  	s11 =	sadd.s32 $0x1, s11;
	[sflag:s15] =	ssyncadd.s32 @!p1 $0xFFFFE000;
	s10 =	smov.u32 s16  }
.LBB1_1:
0x1e: {  	p1 =	sge.u32 s11, s5  }
0x1f: {  	s14 =	sand.u32 @!p1 $0x1FFFFFF, s9  }
0x20: {  	s15 =	smulhi.u32 @!p1 $0x147AE15, s14;
	_ =	sdelay $0x1  }
0x21: {  	s15 =	smul.u32 @!p1 $0xC8, s15  }
0x22: {  	s16 =	sxor.u32 @!p1 $0xFFFFFFFF, s11;
	s17 =	smul.u32 @!p1 $0xC80, s10  }
0x23: {  	s31 =	sadd.s32 $0xFFFFFFFF, s11;
	s16 =	sshll.u32 @!p1 s16, $0xD;
	s14 =	ssub.s32 @!p1 s14, s15  }
0x24: {  	s15 =	sand.u32 @!p1 $0x2000, s16;
	s16 =	sadd.s32 @!p1 s6, s17;
	s14 =	sshll.u32 @!p1 s14, $0x4  }
0x25: {  	s17 =	simm.s32 @!p1 $0x6400;
	s14 =	sadd.s32 @!p1 s14, s16;
	s16 =	simm.s32 @!p1 $0x40  }
0x26: {  	[tilespmem:s15], [sflag:$0x1] =	stream.strided.gather @!p1 [hbm4b:s14+s16], $0x2000, s17, s16, $0x38;
	[tilespmem:$0x8080] =	vst v63  }
0x27: {  	p1 =	sge.u32 s31, s5  }
.Ltmp2:
0x28: {  	_ = 	snop;
	(pc) =	sbr.rel @p1 .LBB1_5-.Ltmp2, $1  }
0x29: {  	_ =	sdelay $0x3  }
0x2a: {  	s14 =	simm.s32 $0x1  }
0x2b: {  	_ =	swait.ge [sflag:s4], $0x2000;
	s14 =	simm.s32 @!p0 $0x0  }
0x2c: {  	[sflag:s4] =	ssyncset.done $0x0;
	s15 =	sshll.u32 s14, $0xD  }
0x2d: {  	[sflag:s4] =	ssyncadd.s32 $0xFFFFE000;
	s18 =	sor.u32 $0x20, s15  }
0x2e: {  	s14 =	smul.u32 $0x8100, s14;
	v3 =	vld [tilespmem:s18+$0x10]  }
0x2f: {  	s30 =	sand.u32 $0x1, s11;
	v2 =	vld [tilespmem:s18+$0xFFFFFFF0]  }
0x30: {  	s15 =	smul.u32 $0x8100, s30;
	s14 =	sshrl.u32 s14, $0x2;
	v0 =	vld [tilespmem:s18+$0x0]  }
0x31: {  	v1 =	vld [tilespmem:s18+$0xFFFFFFE0];
	s16 =	sor.u32 $0x4000, s14  }
0x32: {  	s31 =	sshrl.u32 s15, $0x2;
	s15 =	sadd.s32 $0x0, s16  }
0x33: {  	s17 =	simm.s32 $0x4;
	s18 =	sadd.s32 $0x40, s18;
	s14 =	sor.u32 $0x4000, s31;
	[tilespmem:s15+$0x1830 ss:$0x81] =	vst.msk $0xffff, v3  }
.LBB1_3:
0x34: {  	v3 =	vld [tilespmem:s18+$0x10];
	p1 =	sne.s32 s17, $0x1FC;
	[tilespmem:s15+$0x810 ss:$0x81] =	vst.msk $0xffff, v2;
	s19 =	smov.u32 s17;
	s17 =	sadd.s32 $0x4, s17  }
.Ltmp3:
0x35: {  	v2 =	vld [tilespmem:s18+$0xFFFFFFF0];
	[tilespmem:s15+$0x1020 ss:$0x81] =	vst.msk $0xffff, v0;
	(pc) =	sbr.rel @p1 .LBB1_3-.Ltmp3, $4  }
0x36: {  	v0 =	vld [tilespmem:s18+$0x0];
	[tilespmem:s15+$0x0 ss:$0x81] =	vst.msk $0xffff, v1  }
0x37: {  	s15 =	sshra.s32 s19, $0x2;
	v1 =	vld [tilespmem:s18+$0xFFFFFFE0]  }
0x38: {  	s15 =	sadd.s32 s15, s16  }
0x39: {  	s18 =	sadd.s32 $0x40, s18;
	[tilespmem:s15+$0x1830 ss:$0x81] =	vst.msk $0xffff, v3  }
.Ltmp4:
0x3a: {  	_ = 	snop;
	(pc) =	sbr.rel .LBB1_4-.Ltmp4, $1  }
0x3b: {  	_ =	sdelay $0x3  }
.LBB1_6:
0x3c: {  	_ =	sfence.sel $0x180000  }
0x3d: {  	s2 =	simm.s32 $0x1;
	[bflag:$0x0] =	sbarrier.arrive $0xFFFF  }
0x3e: {  	s31 =	simm.s32 $0x2;
	[sflag:s2] =	ssyncpa.u1 $0x1  }
0x3f: {  	[sflag:s31] =	ssyncpa.u1 $0x1  }
0x40: {  	p0 =	sne.s32 s0, $0x0;
	_ =	strace $0x9000004A  }
0x41: {  	s0 =	sadd.s32 @!p0 $0x100000, s1;
	[bflag:$0x2] =	sbarrier.arrive $0xFFFF  }
0x42: {  	[sflag:s0] =	ssyncadd.tile.s32 @!p0 $0x1;
	_ =	shalt  }
.Lfunc_end1:
_tile_overlayer_lowered:
.L_overlay_start_2:
0x43: {  	(tag) =	ssettag $0x2  }
0x44: {  	s0 =	rddreg [dreg:$0x0];
	s2 =	stileid.u32  }
0x45: {  	s1 =	rddreg [dreg:$0x1];
	p0 =	sne.s32 s2, $0x0  }
0x46: {  	s3 =	rddreg [dreg:$0x2];
	[bflag:$0x3] =	sbarrier.arrive $0xFFFF;
	s2 =	simm.s32 @!p0 $0x1C01  }
0x47: {  	[timem:s3], [sflag:s2] =	dma.local @!p0 [hbm:s0], s1  }
0x48: {  	s0 =	simm.s32 @!p0 $0x1  }
0x49: {  	_ =	swait.ge @!p0 [sflag:s0], s1  }
0x4a: {  	s1 =	ssub.s32 @!p0 $0x0, s1;
	[sflag:s0] =	ssyncset.done @!p0 $0x0  }
0x4b: {  	[sflag:s0] =	ssyncadd.s32 @!p0 s1  }
0x4c: {  	[bflag:$0x3] =	sbarrier.arrive $0xFFFF  }
0x4d: {  	_ =	shalt  }

</sc_bundles>
